<compile_context>
chip_gen: v7x
topology: tpu7x:2x2x1
jax: 0.10.2.dev20260603
libtpu: 0.0.44.dev20260713+nightly
codegen_flags: <defaults>
</compile_context>

<pallas_src>
import jax
import jax.numpy as jnp
from jax import lax
from jax.experimental import pallas as pl
from jax.experimental.pallas import tpu as pltpu
from jax.experimental.pallas import tpu_sc as plsc

_N = 10000
_E = 320000
_F_IN = 128
_HID = 64
_HID2 = 32
_N_DCS = 32
_N_GRAPHS = 16

_NC = 2
_NS = 16
_NW = _NC * _NS
_K = 256
_C = 40
_CS = 28
_CF = 2 * _C - _CS
_E_PAD = _NW * _C * _K
_N_PAD = 10240
_RPT = _N_PAD // _NS
_DEG_W = 16

_BR = 400
_G = _N // _BR

_SC_PARAMS = pltpu.CompilerParams(use_tc_tiling_on_sc=False)


def _sc_mesh():
  return plsc.VectorSubcoreMesh(core_axis_name="c", subcore_axis_name="s")


def _sc_deg():

  def body(dstm, ones_rows, zrows, out, didx, obuf, acc, sem):
    cid = lax.axis_index("c")
    sid = lax.axis_index("s")
    myc = jnp.where(cid == 0, _CF, _CS)
    base = (cid * _NS + sid) * _CF
    pltpu.sync_copy(dstm.at[pl.ds(base, _CF)], didx)
    pltpu.sync_copy(ones_rows, obuf)
    pltpu.sync_copy(zrows, acc.at[pl.ds(sid * _RPT, _RPT)])
    plsc.subcore_barrier()

    def group(g, carry):
      cps = []
      for b in range(4):
        j = g * 4 + b
        cps.append(pltpu.async_copy(obuf, acc.at[didx.at[j]], sem, add=True))
      for cp in cps:
        cp.wait()
      return carry

    lax.fori_loop(0, myc // 4, group, 0)
    plsc.subcore_barrier()
    pltpu.sync_copy(acc.at[pl.ds(sid * _RPT, _RPT)],
                    out.at[cid, pl.ds(sid * _RPT, _RPT)])

  return pl.kernel(
      body,
      out_type=jax.ShapeDtypeStruct((_NC, _N_PAD, _DEG_W), jnp.float32),
      mesh=_sc_mesh(),
      scratch_types=[
          pltpu.VMEM((_CF, _K), jnp.int32),
          pltpu.VMEM((_K, _DEG_W), jnp.float32),
          pltpu.VMEM_SHARED((_N_PAD, _DEG_W), jnp.float32),
          pltpu.SemaphoreType.DMA,
      ],
      compiler_params=_SC_PARAMS,
  )


def _sc_agg(d):

  nbuf = 2

  def body(table, srcm, dstm, zrows, out, sidx, didx, rows, acc, *sems):
    gsems = sems[:nbuf]
    ssems = sems[nbuf:]
    cid = lax.axis_index("c")
    sid = lax.axis_index("s")
    myc = jnp.where(cid == 0, _CF, _CS)
    base = (cid * _NS + sid) * _CF
    pltpu.sync_copy(srcm.at[pl.ds(base, _CF)], sidx)
    pltpu.sync_copy(dstm.at[pl.ds(base, _CF)], didx)
    pltpu.sync_copy(zrows, acc.at[pl.ds(sid * _RPT, _RPT)])
    plsc.subcore_barrier()

    for b in range(nbuf - 1):
      pltpu.async_copy(table.at[sidx.at[b]], rows.at[b], gsems[b])

    def group(g, carry):
      for u in range(nbuf):
        j = g * nbuf + u
        b = u
        pltpu.make_async_copy(table.at[sidx.at[j]], rows.at[b],
                              gsems[b]).wait()
        pltpu.async_copy(rows.at[b], acc.at[didx.at[j]], ssems[b], add=True)
        nj = j + nbuf - 1
        bp = (u + nbuf - 1) % nbuf

        @pl.when(nj < myc)
        def _():
          @pl.when(j > 0)
          def _():
            pltpu.make_async_copy(rows.at[bp], acc.at[didx.at[j]],
                                  ssems[bp]).wait()

          pltpu.async_copy(table.at[sidx.at[nj]], rows.at[bp], gsems[bp])
      return carry

    lax.fori_loop(0, myc // nbuf, group, 0)
    for b in range(nbuf):
      pltpu.make_async_copy(rows.at[b], acc.at[didx.at[b]], ssems[b]).wait()
    plsc.subcore_barrier()
    pltpu.sync_copy(acc.at[pl.ds(sid * _RPT, _RPT)],
                    out.at[cid, pl.ds(sid * _RPT, _RPT)])

  return pl.kernel(
      body,
      out_type=jax.ShapeDtypeStruct((_NC, _N_PAD, d), jnp.bfloat16),
      mesh=_sc_mesh(),
      scratch_types=[
          pltpu.VMEM((_CF, _K), jnp.int32),
          pltpu.VMEM((_CF, _K), jnp.int32),
          pltpu.VMEM((nbuf, _K, d), jnp.bfloat16),
          pltpu.VMEM_SHARED((_N_PAD, d), jnp.bfloat16),
      ] + [pltpu.SemaphoreType.DMA] * (2 * nbuf),
      compiler_params=_SC_PARAMS,
  )


def _tc1_body(counts_ref, x_ref, w1_ref, h_ref, dis_ref):
  counts = counts_ref[...]
  deg = counts[0, :, :1] + counts[1, :, :1] + 1.0
  dis = lax.rsqrt(deg)
  h = jnp.dot(x_ref[...], w1_ref[...], preferred_element_type=jnp.float32)
  h_ref[...] = (h * dis).astype(jnp.bfloat16)
  dis_ref[...] = dis


def _tc1(counts, x, w1):
  return pl.pallas_call(
      _tc1_body,
      grid=(_G,),
      in_specs=[
          pl.BlockSpec((_NC, _BR, _DEG_W), lambda i: (0, i, 0)),
          pl.BlockSpec((_BR, _F_IN), lambda i: (i, 0)),
          pl.BlockSpec((_F_IN, _HID), lambda i: (0, 0)),
      ],
      out_specs=[
          pl.BlockSpec((_BR, _HID), lambda i: (i, 0)),
          pl.BlockSpec((_BR, 1), lambda i: (i, 0)),
      ],
      out_shape=[
          jax.ShapeDtypeStruct((_N, _HID), jnp.bfloat16),
          jax.ShapeDtypeStruct((_N, 1), jnp.float32),
      ],
  )(counts, x, w1)


def _tc2_body(p_ref, h1s_ref, dis_ref, b1_ref, w2_ref, o_ref):
  p = p_ref[...].astype(jnp.float32)
  dis = dis_ref[...]
  s = p[0] + p[1] + h1s_ref[...].astype(jnp.float32)
  bx = jnp.maximum(dis * s + b1_ref[...], 0.0)
  h2s = jnp.dot(bx, w2_ref[...], preferred_element_type=jnp.float32) * dis
  o_ref[...] = h2s.astype(jnp.bfloat16)


def _tc2(p1, h1s, dis, b1, w2):
  return pl.pallas_call(
      _tc2_body,
      grid=(_G,),
      in_specs=[
          pl.BlockSpec((_NC, _BR, _HID), lambda i: (0, i, 0)),
          pl.BlockSpec((_BR, _HID), lambda i: (i, 0)),
          pl.BlockSpec((_BR, 1), lambda i: (i, 0)),
          pl.BlockSpec((1, _HID), lambda i: (0, 0)),
          pl.BlockSpec((_HID, _HID2), lambda i: (0, 0)),
      ],
      out_specs=pl.BlockSpec((_BR, _HID2), lambda i: (i, 0)),
      out_shape=jax.ShapeDtypeStruct((_N, _HID2), jnp.bfloat16),
  )(p1, h1s, dis, b1, w2)


def _tc3_body(p_ref, h2s_ref, dis_ref, b2_ref, ids_ref, wm_ref, bm_ref,
              o_ref, px_acc):
  i = pl.program_id(0)

  @pl.when(i == 0)
  def _():
    px_acc[...] = jnp.full((_N_GRAPHS, _HID2), -jnp.inf, jnp.float32)

  p = p_ref[...].astype(jnp.float32)
  cx = jnp.maximum(dis_ref[...] * (p[0] + p[1]
                                   + h2s_ref[...].astype(jnp.float32))
                   + b2_ref[...], 0.0)
  gids = lax.broadcasted_iota(jnp.int32, (_N_GRAPHS, _BR, 1), 0)
  m = gids == ids_ref[...][None, :, :]
  vals = jnp.where(m, cx[None, :, :], -jnp.inf)
  px_acc[...] = jnp.maximum(px_acc[...], jnp.max(vals, axis=1))

  @pl.when(i == _G - 1)
  def _():
    o_ref[...] = jnp.dot(px_acc[...], wm_ref[...],
                         preferred_element_type=jnp.float32) + bm_ref[...]


def _tc3(p2, h2s, dis, b2, ids, wm, bm):
  return pl.pallas_call(
      _tc3_body,
      grid=(_G,),
      in_specs=[
          pl.BlockSpec((_NC, _BR, _HID2), lambda i: (0, i, 0)),
          pl.BlockSpec((_BR, _HID2), lambda i: (i, 0)),
          pl.BlockSpec((_BR, 1), lambda i: (i, 0)),
          pl.BlockSpec((1, _HID2), lambda i: (0, 0)),
          pl.BlockSpec((_BR, 1), lambda i: (i, 0)),
          pl.BlockSpec((_HID2, _N_DCS), lambda i: (0, 0)),
          pl.BlockSpec((1, _N_DCS), lambda i: (0, 0)),
      ],
      out_specs=pl.BlockSpec((_N_GRAPHS, _N_DCS), lambda i: (0, 0)),
      out_shape=jax.ShapeDtypeStruct((_N_GRAPHS, _N_DCS), jnp.float32),
      scratch_shapes=[pltpu.VMEM((_N_GRAPHS, _N_DCS), jnp.float32)],
  )(p2, h2s, dis, b2, ids, wm, bm)


def kernel(x, edge_index, batch, W1, b1, W2, b2, Wm, bm):
  src = edge_index[0]
  dst = edge_index[1]
  pad = _E_PAD - _E

  def _layout(flat, fill):
    flat = jnp.concatenate([flat, jnp.full((pad,), fill, jnp.int32)])
    p0 = flat[:_NS * _CF * _K].reshape(_NS, _CF, _K)
    p1 = flat[_NS * _CF * _K:].reshape(_NS, _CS, _K)
    p1 = jnp.concatenate(
        [p1, jnp.full((_NS, _CF - _CS, _K), fill, jnp.int32)], axis=1)
    return jnp.concatenate([p0, p1], axis=0).reshape(_NW * _CF, _K)

  srcm = _layout(src, 0)
  dstm = _layout(dst, _N)

  ones_rows = jnp.ones((_K, _DEG_W), jnp.float32)
  z_deg = jnp.zeros((_RPT, _DEG_W), jnp.float32)
  z1 = jnp.zeros((_RPT, _HID), jnp.bfloat16)
  z2 = jnp.zeros((_RPT, _HID2), jnp.bfloat16)

  counts = _sc_deg()(dstm, ones_rows, z_deg)
  h1s, dis = _tc1(counts, x, W1)
  p1 = _sc_agg(_HID)(h1s, srcm, dstm, z1)
  h2s = _tc2(p1, h1s, dis, b1.reshape(1, _HID), W2)
  p2 = _sc_agg(_HID2)(h2s, srcm, dstm, z2)
  return _tc3(p2, h2s, dis, b2.reshape(1, _HID2),
              batch.reshape(_N, 1), Wm, bm.reshape(1, _N_DCS))

# --- scband reference (transcript-rebuilt; emitter-appended) ---
"""Pipeline reference for scband-physnet-agg-demand-gcn-15994458211335 (READ-ONLY COPY).

The authoritative reference and input builder live on the scoring server;
editing this copy changes nothing except your own understanding.
"""

import jax, jax.numpy as jnp
import numpy as np

N_NODES = 10000
N_EDGES = 320000
F_IN = 128      # num_commodities
HID = 64        # hidden_units
HID2 = HID // 2
N_DCS = 32
N_GRAPHS = 16


def setup_inputs(seed: int = 0) -> dict:
    key = jax.random.key(seed)
    ks = jax.random.split(key, 8)
    x = jax.random.normal(ks[0], (N_NODES, F_IN), dtype=jnp.float32)
    edge_index = jax.random.randint(ks[1], (2, N_EDGES), 0, N_NODES, dtype=jnp.int32)
    batch = jnp.sort(jax.random.randint(ks[2], (N_NODES,), 0, N_GRAPHS, dtype=jnp.int32))
    W1 = jax.random.normal(ks[3], (F_IN, HID), dtype=jnp.float32) * 0.05
    b1 = jnp.zeros((HID,), dtype=jnp.float32)
    W2 = jax.random.normal(ks[4], (HID, HID2), dtype=jnp.float32) * 0.05
    b2 = jnp.zeros((HID2,), dtype=jnp.float32)
    Wm = jax.random.normal(ks[5], (HID2, N_DCS), dtype=jnp.float32) * 0.05
    bm = jnp.zeros((N_DCS,), dtype=jnp.float32)
    return {"x": x, "edge_index": edge_index, "batch": batch,
            "W1": W1, "b1": b1, "W2": W2, "b2": b2, "Wm": Wm, "bm": bm}


def _gcn_conv(x, edge_index, W, b):
    # Faithful PyG GCNConv: add self-loops, symmetric deg^{-1/2} normalization,
    # linear transform, scatter-add aggregation, bias.
    n = x.shape[0]
    loop = jnp.arange(n, dtype=edge_index.dtype)
    src = jnp.concatenate([edge_index[0], loop])
    dst = jnp.concatenate([edge_index[1], loop])
    deg = jnp.zeros((n,), dtype=x.dtype).at[dst].add(1.0)
    deg_inv_sqrt = jnp.where(deg > 0, 1.0 / jnp.sqrt(deg), 0.0)
    norm = deg_inv_sqrt[src] * deg_inv_sqrt[dst]
    h = x @ W
    msg = h[src] * norm[:, None]
    out = jnp.zeros((n, W.shape[1]), dtype=x.dtype).at[dst].add(msg)
    return out + b


def reference(x, edge_index, batch, W1, b1, W2, b2, Wm, bm):
    # x = data.x.float() (normalize_inputs is False)
    bx = jax.nn.relu(_gcn_conv(x, edge_index, W1, b1))
    cx = jax.nn.relu(_gcn_conv(bx, edge_index, W2, b2))
    px = jax.ops.segment_max(cx, batch, num_segments=N_GRAPHS)  # global_max_pool
    mx = px @ Wm + bm
    return mx

if __name__ == "__main__":
    import jax
    _d = setup_inputs()
    print(jax.jit(kernel)(*tuple(_d.values())))

</pallas_src>

<mosaic_0001>
#map = affine_map<(d0, d1) -> (0, 0)>
#map1 = affine_map<(d0, d1) -> (0, 0, 0)>
module attributes {stable_mosaic.version = 14 : i64} {
  func.func @body(%arg0: i32, %arg1: i32, %arg2: memref<10000x64xbf16, #tpu.memory_space<hbm>>, %arg3: memref<1664x256xi32, #tpu.memory_space<hbm>>, %arg4: memref<1664x256xi32, #tpu.memory_space<hbm>>, %arg5: memref<640x64xbf16, #tpu.memory_space<hbm>>, %arg6: memref<2x10240x64xbf16, #tpu.memory_space<hbm>>, %arg7: memref<52x256xi32, #tpu.memory_space<vmem>>, %arg8: memref<52x256xi32, #tpu.memory_space<vmem>>, %arg9: memref<2x256x64xbf16, #tpu.memory_space<vmem>>, %arg10: memref<10240x64xbf16, #tpu.memory_space<vmem_shared>>, %arg11: memref<!tpu.dma_semaphore, #tpu.memory_space<semaphore_mem>>, %arg12: memref<!tpu.dma_semaphore, #tpu.memory_space<semaphore_mem>>, %arg13: memref<!tpu.dma_semaphore, #tpu.memory_space<semaphore_mem>>, %arg14: memref<!tpu.dma_semaphore, #tpu.memory_space<semaphore_mem>>) attributes {dimension_semantics = [#tpu.dimension_semantics<core_parallel>, #tpu.dimension_semantics<subcore_parallel>], iteration_bounds = array<i64: 2, 16>, scalar_prefetch = 0 : i64, scratch_operands = 8 : i64, tpu.core_type = #tpu.core_type<sc_vector_subcore>, window_params = [{transform_indices = #map}, {transform_indices = #map}, {transform_indices = #map}, {transform_indices = #map}, {transform_indices = #map1}]} {
    %eq3A = arith.constant 0 : i32
    %eq3A_0 = arith.cmpi eq, %arg0, %eq3A : i32
    %jit3A = arith.constant 52 : i32
    %jit3A_1 = arith.constant 28 : i32
    %select_n3A = arith.select %eq3A_0, %jit3A, %jit3A_1 : i32
    %mul3A = arith.constant 16 : i32
    %mul3A_2 = arith.muli %arg0, %mul3A : i32
    %add3A = arith.addi %mul3A_2, %arg1 : i32
    %mul3A_3 = arith.constant 52 : i32
    %mul3A_4 = arith.muli %add3A, %mul3A_3 : i32
    "tpu.region"() ({
      %run_scoped3A = tpu.sem_alloc : memref<!tpu.dma_semaphore, #tpu.memory_space<semaphore_mem>>
      %dma_start3A_73 = arith.constant 0 : i32
      %dma_start3A_74 = tpu.memref_slice %arg3[%mul3A_4, %dma_start3A_73] : memref<1664x256xi32, #tpu.memory_space<hbm>> -> memref<52x256xi32, #tpu.memory_space<hbm>>
      %dma_start3A_75 = arith.constant 0 : i32
      %dma_start3A_76 = tpu.memref_slice %arg3[%mul3A_4, %dma_start3A_75] : memref<1664x256xi32, #tpu.memory_space<hbm>> -> memref<52x256xi32, #tpu.memory_space<hbm>>
      tpu.enqueue_dma source(%dma_start3A_76 : memref<52x256xi32, #tpu.memory_space<hbm>>) target(%arg7 : memref<52x256xi32, #tpu.memory_space<vmem>>) target_semaphore(%run_scoped3A : memref<!tpu.dma_semaphore, #tpu.memory_space<semaphore_mem>>)
      %dma_wait3A_77 = arith.constant 0 : i32
      %dma_wait3A_78 = tpu.memref_slice %arg3[%mul3A_4, %dma_wait3A_77] : memref<1664x256xi32, #tpu.memory_space<hbm>> -> memref<52x256xi32, #tpu.memory_space<hbm>>
      %dma_wait3A_79 = arith.constant 0 : i32
      %dma_wait3A_80 = tpu.memref_slice %arg3[%mul3A_4, %dma_wait3A_79] : memref<1664x256xi32, #tpu.memory_space<hbm>> -> memref<52x256xi32, #tpu.memory_space<hbm>>
      tpu.wait_dma2 semaphore(%run_scoped3A : memref<!tpu.dma_semaphore, #tpu.memory_space<semaphore_mem>>) src(%dma_wait3A_80 : memref<52x256xi32, #tpu.memory_space<hbm>>) dst(%arg7 : memref<52x256xi32, #tpu.memory_space<vmem>>)
      tpu.yield
    }) : () -> ()
    "tpu.region"() ({
      %run_scoped3A = tpu.sem_alloc : memref<!tpu.dma_semaphore, #tpu.memory_space<semaphore_mem>>
      %dma_start3A_73 = arith.constant 0 : i32
      %dma_start3A_74 = tpu.memref_slice %arg4[%mul3A_4, %dma_start3A_73] : memref<1664x256xi32, #tpu.memory_space<hbm>> -> memref<52x256xi32, #tpu.memory_space<hbm>>
      %dma_start3A_75 = arith.constant 0 : i32
      %dma_start3A_76 = tpu.memref_slice %arg4[%mul3A_4, %dma_start3A_75] : memref<1664x256xi32, #tpu.memory_space<hbm>> -> memref<52x256xi32, #tpu.memory_space<hbm>>
      tpu.enqueue_dma source(%dma_start3A_76 : memref<52x256xi32, #tpu.memory_space<hbm>>) target(%arg8 : memref<52x256xi32, #tpu.memory_space<vmem>>) target_semaphore(%run_scoped3A : memref<!tpu.dma_semaphore, #tpu.memory_space<semaphore_mem>>)
      %dma_wait3A_77 = arith.constant 0 : i32
      %dma_wait3A_78 = tpu.memref_slice %arg4[%mul3A_4, %dma_wait3A_77] : memref<1664x256xi32, #tpu.memory_space<hbm>> -> memref<52x256xi32, #tpu.memory_space<hbm>>
      %dma_wait3A_79 = arith.constant 0 : i32
      %dma_wait3A_80 = tpu.memref_slice %arg4[%mul3A_4, %dma_wait3A_79] : memref<1664x256xi32, #tpu.memory_space<hbm>> -> memref<52x256xi32, #tpu.memory_space<hbm>>
      tpu.wait_dma2 semaphore(%run_scoped3A : memref<!tpu.dma_semaphore, #tpu.memory_space<semaphore_mem>>) src(%dma_wait3A_80 : memref<52x256xi32, #tpu.memory_space<hbm>>) dst(%arg8 : memref<52x256xi32, #tpu.memory_space<vmem>>)
      tpu.yield
    }) : () -> ()
    %mul3A_5 = arith.constant 640 : i32
    %mul3A_6 = arith.muli %arg1, %mul3A_5 : i32
    "tpu.region"() ({
      %run_scoped3A = tpu.sem_alloc : memref<!tpu.dma_semaphore, #tpu.memory_space<semaphore_mem>>
      %dma_start3A_73 = arith.constant 0 : i32
      %dma_start3A_74 = tpu.memref_slice %arg10[%mul3A_6, %dma_start3A_73] : memref<10240x64xbf16, #tpu.memory_space<vmem_shared>> -> memref<640x64xbf16, #tpu.memory_space<vmem_shared>>
      tpu.enqueue_dma source(%arg5 : memref<640x64xbf16, #tpu.memory_space<hbm>>) target(%dma_start3A_74 : memref<640x64xbf16, #tpu.memory_space<vmem_shared>>) target_semaphore(%run_scoped3A : memref<!tpu.dma_semaphore, #tpu.memory_space<semaphore_mem>>)
      %dma_wait3A_75 = arith.constant 0 : i32
      %dma_wait3A_76 = tpu.memref_slice %arg10[%mul3A_6, %dma_wait3A_75] : memref<10240x64xbf16, #tpu.memory_space<vmem_shared>> -> memref<640x64xbf16, #tpu.memory_space<vmem_shared>>
      tpu.wait_dma2 semaphore(%run_scoped3A : memref<!tpu.dma_semaphore, #tpu.memory_space<semaphore_mem>>) src(%arg5 : memref<640x64xbf16, #tpu.memory_space<hbm>>) dst(%dma_wait3A_76 : memref<640x64xbf16, #tpu.memory_space<vmem_shared>>)
      tpu.yield
    }) : () -> ()
    %barrier3A = arith.constant 0 : index
    tpu.barrier barrier_id(%barrier3A)
    %dma_start3A = arith.constant 0 : i32
    %dma_start3A_7 = arith.constant 0 : i32
    %dma_start3A_8 = arith.constant 0 : i32
    %dma_start3A_9 = arith.constant 0 : i32
    %dma_start3A_10 = tpu.memref_slice %arg9[%dma_start3A_7, %dma_start3A_8, %dma_start3A_9] : memref<2x256x64xbf16, #tpu.memory_space<vmem>> -> memref<1x256x64xbf16, #tpu.memory_space<vmem>>
    %dma_start3A_11 = tpu.memref_squeeze %dma_start3A_10 : memref<1x256x64xbf16, #tpu.memory_space<vmem>> -> memref<256x64xbf16, #tpu.memory_space<vmem>>
    %dma_start3A_12 = arith.constant 0 : i32
    %dma_start3A_13 = tpu.memref_slice %arg7[%dma_start3A, %dma_start3A_12] : memref<52x256xi32, #tpu.memory_space<vmem>> -> memref<1x256xi32, #tpu.memory_space<vmem>>
    %dma_start3A_14 = tpu.memref_squeeze %dma_start3A_13 : memref<1x256xi32, #tpu.memory_space<vmem>> -> memref<256xi32, #tpu.memory_space<vmem>>
    %dma_start3A_15 = arith.constant 0 : i32
    %dma_start3A_16 = arith.constant 0 : i32
    %dma_start3A_17 = tpu.memref_slice %arg2[%dma_start3A_15, %dma_start3A_16] : memref<10000x64xbf16, #tpu.memory_space<hbm>> -> memref<10000x64xbf16, #tpu.memory_space<hbm>>
    tpu.enqueue_indirect_dma source(%dma_start3A_17 : memref<10000x64xbf16, #tpu.memory_space<hbm>>) target(%dma_start3A_11 : memref<256x64xbf16, #tpu.memory_space<vmem>>) offsets(%dma_start3A_14 : memref<256xi32, #tpu.memory_space<vmem>>) semaphore(%arg11 : memref<!tpu.dma_semaphore, #tpu.memory_space<semaphore_mem>>)
    %jit3A_18 = arith.constant 2 : i32
    %div3A = arith.divsi %select_n3A, %jit3A_18 : i32
    %sign3A = arith.constant 0 : i32
    %sign3A_19 = arith.cmpi sgt, %select_n3A, %sign3A : i32
    %sign3A_20 = arith.extui %sign3A_19 : i1 to i32
    %sign3A_21 = arith.constant 0 : i32
    %sign3A_22 = arith.cmpi slt, %select_n3A, %sign3A_21 : i32
    %sign3A_23 = arith.extui %sign3A_22 : i1 to i32
    %sign3A_24 = arith.subi %sign3A_20, %sign3A_23 : i32
    %sign3A_25 = arith.constant 0 : i32
    %sign3A_26 = arith.cmpi sgt, %jit3A_18, %sign3A_25 : i32
    %sign3A_27 = arith.extui %sign3A_26 : i1 to i32
    %sign3A_28 = arith.constant 0 : i32
    %sign3A_29 = arith.cmpi slt, %jit3A_18, %sign3A_28 : i32
    %sign3A_30 = arith.extui %sign3A_29 : i1 to i32
    %sign3A_31 = arith.subi %sign3A_27, %sign3A_30 : i32
    %ne3A = arith.cmpi ne, %sign3A_24, %sign3A_31 : i32
    %rem3A = arith.remsi %select_n3A, %jit3A_18 : i32
    %ne3A_32 = arith.constant 0 : i32
    %ne3A_33 = arith.cmpi ne, %rem3A, %ne3A_32 : i32
    %and3A = arith.andi %ne3A, %ne3A_33 : i1
    %sub3A = arith.constant 1 : i32
    %sub3A_34 = arith.subi %div3A, %sub3A : i32
    %select_n3A_35 = arith.select %and3A, %sub3A_34, %div3A : i32
    %while3A = arith.constant 0 : i32
    %while3A_36 = arith.constant 0 : i32
    %while3A_37 = arith.subi %select_n3A_35, %while3A_36 : i32
    %while3A_38 = arith.addi %while3A_36, %while3A_37 : i32
    %while3A_39 = arith.constant 1 : i32
    %while3A_40 = arith.divsi %while3A_37, %while3A_39 : i32
    %while3A_41 = arith.muli %while3A_40, %while3A_39 : i32
    %while3A_42 = arith.addi %while3A_36, %while3A_41 : i32
    %while3A_43 = arith.constant 1 : i32
    scf.for %while3A_73 = %while3A_36 to %while3A_42 step %while3A_43  : i32 {
      %mul3A_74 = arith.constant 2 : i32
      %mul3A_75 = arith.muli %while3A_73, %mul3A_74 : i32
      %add3A_76 = arith.constant 0 : i32
      %add3A_77 = arith.addi %mul3A_75, %add3A_76 : i32
      %dma_wait3A_78 = arith.constant 0 : i32
      %dma_wait3A_79 = arith.constant 0 : i32
      %dma_wait3A_80 = arith.constant 0 : i32
      %dma_wait3A_81 = tpu.memref_slice %arg9[%dma_wait3A_78, %dma_wait3A_79, %dma_wait3A_80] : memref<2x256x64xbf16, #tpu.memory_space<vmem>> -> memref<1x256x64xbf16, #tpu.memory_space<vmem>>
      %dma_wait3A_82 = tpu.memref_squeeze %dma_wait3A_81 : memref<1x256x64xbf16, #tpu.memory_space<vmem>> -> memref<256x64xbf16, #tpu.memory_space<vmem>>
      %dma_wait3A_83 = arith.constant 0 : i32
      %dma_wait3A_84 = tpu.memref_slice %arg7[%add3A_77, %dma_wait3A_83] : memref<52x256xi32, #tpu.memory_space<vmem>> -> memref<1x256xi32, #tpu.memory_space<vmem>>
      %dma_wait3A_85 = tpu.memref_squeeze %dma_wait3A_84 : memref<1x256xi32, #tpu.memory_space<vmem>> -> memref<256xi32, #tpu.memory_space<vmem>>
      %dma_wait3A_86 = arith.constant 0 : i32
      %dma_wait3A_87 = arith.constant 0 : i32
      %dma_wait3A_88 = tpu.memref_slice %arg2[%dma_wait3A_86, %dma_wait3A_87] : memref<10000x64xbf16, #tpu.memory_space<hbm>> -> memref<10000x64xbf16, #tpu.memory_space<hbm>>
      tpu.wait_indirect_dma semaphore(%arg11 : memref<!tpu.dma_semaphore, #tpu.memory_space<semaphore_mem>>) src(%dma_wait3A_88 : memref<10000x64xbf16, #tpu.memory_space<hbm>>) dst(%dma_wait3A_82 : memref<256x64xbf16, #tpu.memory_space<vmem>>)
      %dma_start3A_89 = arith.constant 0 : i32
      %dma_start3A_90 = arith.constant 0 : i32
      %dma_start3A_91 = arith.constant 0 : i32
      %dma_start3A_92 = tpu.memref_slice %arg9[%dma_start3A_89, %dma_start3A_90, %dma_start3A_91] : memref<2x256x64xbf16, #tpu.memory_space<vmem>> -> memref<1x256x64xbf16, #tpu.memory_space<vmem>>
      %dma_start3A_93 = tpu.memref_squeeze %dma_start3A_92 : memref<1x256x64xbf16, #tpu.memory_space<vmem>> -> memref<256x64xbf16, #tpu.memory_space<vmem>>
      %dma_start3A_94 = arith.constant 0 : i32
      %dma_start3A_95 = tpu.memref_slice %arg8[%add3A_77, %dma_start3A_94] : memref<52x256xi32, #tpu.memory_space<vmem>> -> memref<1x256xi32, #tpu.memory_space<vmem>>
      %dma_start3A_96 = tpu.memref_squeeze %dma_start3A_95 : memref<1x256xi32, #tpu.memory_space<vmem>> -> memref<256xi32, #tpu.memory_space<vmem>>
      %dma_start3A_97 = arith.constant 0 : i32
      %dma_start3A_98 = arith.constant 0 : i32
      %dma_start3A_99 = tpu.memref_slice %arg10[%dma_start3A_97, %dma_start3A_98] : memref<10240x64xbf16, #tpu.memory_space<vmem_shared>> -> memref<10240x64xbf16, #tpu.memory_space<vmem_shared>>
      tpu.enqueue_indirect_dma source(%dma_start3A_93 : memref<256x64xbf16, #tpu.memory_space<vmem>>) target(%dma_start3A_99 : memref<10240x64xbf16, #tpu.memory_space<vmem_shared>>) offsets(%dma_start3A_96 : memref<256xi32, #tpu.memory_space<vmem>>) semaphore(%arg13 : memref<!tpu.dma_semaphore, #tpu.memory_space<semaphore_mem>>) {add = true}
      %add3A_100 = arith.constant 2 : i32
      %add3A_101 = arith.addi %add3A_77, %add3A_100 : i32
      %sub3A_102 = arith.constant 1 : i32
      %sub3A_103 = arith.subi %add3A_101, %sub3A_102 : i32
      %lt3A = arith.cmpi slt, %sub3A_103, %select_n3A : i32
      %convert_element_type3A = arith.extui %lt3A : i1 to i32
      %cond3A = arith.constant 0 : i32
      %cond3A_104 = arith.cmpi ne, %convert_element_type3A, %cond3A : i32
      scf.if %cond3A_104 {
        %gt3A = arith.constant 0 : i32
        %gt3A_139 = arith.cmpi sgt, %add3A_77, %gt3A : i32
        %convert_element_type3A_140 = arith.extui %gt3A_139 : i1 to i32
        %cond3A_141 = arith.constant 0 : i32
        %cond3A_142 = arith.cmpi ne, %convert_element_type3A_140, %cond3A_141 : i32
        scf.if %cond3A_142 {
          %dma_wait3A_154 = arith.constant 1 : i32
          %dma_wait3A_155 = arith.constant 0 : i32
          %dma_wait3A_156 = arith.constant 0 : i32
          %dma_wait3A_157 = tpu.memref_slice %arg9[%dma_wait3A_154, %dma_wait3A_155, %dma_wait3A_156] : memref<2x256x64xbf16, #tpu.memory_space<vmem>> -> memref<1x256x64xbf16, #tpu.memory_space<vmem>>
          %dma_wait3A_158 = tpu.memref_squeeze %dma_wait3A_157 : memref<1x256x64xbf16, #tpu.memory_space<vmem>> -> memref<256x64xbf16, #tpu.memory_space<vmem>>
          %dma_wait3A_159 = arith.constant 0 : i32
          %dma_wait3A_160 = tpu.memref_slice %arg8[%add3A_77, %dma_wait3A_159] : memref<52x256xi32, #tpu.memory_space<vmem>> -> memref<1x256xi32, #tpu.memory_space<vmem>>
          %dma_wait3A_161 = tpu.memref_squeeze %dma_wait3A_160 : memref<1x256xi32, #tpu.memory_space<vmem>> -> memref<256xi32, #tpu.memory_space<vmem>>
          %dma_wait3A_162 = arith.constant 0 : i32
          %dma_wait3A_163 = arith.constant 0 : i32
          %dma_wait3A_164 = tpu.memref_slice %arg10[%dma_wait3A_162, %dma_wait3A_163] : memref<10240x64xbf16, #tpu.memory_space<vmem_shared>> -> memref<10240x64xbf16, #tpu.memory_space<vmem_shared>>
          tpu.wait_indirect_dma semaphore(%arg14 : memref<!tpu.dma_semaphore, #tpu.memory_space<semaphore_mem>>) src(%dma_wait3A_158 : memref<256x64xbf16, #tpu.memory_space<vmem>>) dst(%dma_wait3A_164 : memref<10240x64xbf16, #tpu.memory_space<vmem_shared>>)
        } else {
        }
        %dma_start3A_143 = arith.constant 1 : i32
        %dma_start3A_144 = arith.constant 0 : i32
        %dma_start3A_145 = arith.constant 0 : i32
        %dma_start3A_146 = tpu.memref_slice %arg9[%dma_start3A_143, %dma_start3A_144, %dma_start3A_145] : memref<2x256x64xbf16, #tpu.memory_space<vmem>> -> memref<1x256x64xbf16, #tpu.memory_space<vmem>>
        %dma_start3A_147 = tpu.memref_squeeze %dma_start3A_146 : memref<1x256x64xbf16, #tpu.memory_space<vmem>> -> memref<256x64xbf16, #tpu.memory_space<vmem>>
        %dma_start3A_148 = arith.constant 0 : i32
        %dma_start3A_149 = tpu.memref_slice %arg7[%sub3A_103, %dma_start3A_148] : memref<52x256xi32, #tpu.memory_space<vmem>> -> memref<1x256xi32, #tpu.memory_space<vmem>>
        %dma_start3A_150 = tpu.memref_squeeze %dma_start3A_149 : memref<1x256xi32, #tpu.memory_space<vmem>> -> memref<256xi32, #tpu.memory_space<vmem>>
        %dma_start3A_151 = arith.constant 0 : i32
        %dma_start3A_152 = arith.constant 0 : i32
        %dma_start3A_153 = tpu.memref_slice %arg2[%dma_start3A_151, %dma_start3A_152] : memref<10000x64xbf16, #tpu.memory_space<hbm>> -> memref<10000x64xbf16, #tpu.memory_space<hbm>>
        tpu.enqueue_indirect_dma source(%dma_start3A_153 : memref<10000x64xbf16, #tpu.memory_space<hbm>>) target(%dma_start3A_147 : memref<256x64xbf16, #tpu.memory_space<vmem>>) offsets(%dma_start3A_150 : memref<256xi32, #tpu.memory_space<vmem>>) semaphore(%arg12 : memref<!tpu.dma_semaphore, #tpu.memory_space<semaphore_mem>>)
      } else {
      }
      %mul3A_105 = arith.constant 2 : i32
      %mul3A_106 = arith.muli %while3A_73, %mul3A_105 : i32
      %add3A_107 = arith.constant 1 : i32
      %add3A_108 = arith.addi %mul3A_106, %add3A_107 : i32
      %dma_wait3A_109 = arith.constant 1 : i32
      %dma_wait3A_110 = arith.constant 0 : i32
      %dma_wait3A_111 = arith.constant 0 : i32
      %dma_wait3A_112 = tpu.memref_slice %arg9[%dma_wait3A_109, %dma_wait3A_110, %dma_wait3A_111] : memref<2x256x64xbf16, #tpu.memory_space<vmem>> -> memref<1x256x64xbf16, #tpu.memory_space<vmem>>
      %dma_wait3A_113 = tpu.memref_squeeze %dma_wait3A_112 : memref<1x256x64xbf16, #tpu.memory_space<vmem>> -> memref<256x64xbf16, #tpu.memory_space<vmem>>
      %dma_wait3A_114 = arith.constant 0 : i32
      %dma_wait3A_115 = tpu.memref_slice %arg7[%add3A_108, %dma_wait3A_114] : memref<52x256xi32, #tpu.memory_space<vmem>> -> memref<1x256xi32, #tpu.memory_space<vmem>>
      %dma_wait3A_116 = tpu.memref_squeeze %dma_wait3A_115 : memref<1x256xi32, #tpu.memory_space<vmem>> -> memref<256xi32, #tpu.memory_space<vmem>>
      %dma_wait3A_117 = arith.constant 0 : i32
      %dma_wait3A_118 = arith.constant 0 : i32
      %dma_wait3A_119 = tpu.memref_slice %arg2[%dma_wait3A_117, %dma_wait3A_118] : memref<10000x64xbf16, #tpu.memory_space<hbm>> -> memref<10000x64xbf16, #tpu.memory_space<hbm>>
      tpu.wait_indirect_dma semaphore(%arg12 : memref<!tpu.dma_semaphore, #tpu.memory_space<semaphore_mem>>) src(%dma_wait3A_119 : memref<10000x64xbf16, #tpu.memory_space<hbm>>) dst(%dma_wait3A_113 : memref<256x64xbf16, #tpu.memory_space<vmem>>)
      %dma_start3A_120 = arith.constant 1 : i32
      %dma_start3A_121 = arith.constant 0 : i32
      %dma_start3A_122 = arith.constant 0 : i32
      %dma_start3A_123 = tpu.memref_slice %arg9[%dma_start3A_120, %dma_start3A_121, %dma_start3A_122] : memref<2x256x64xbf16, #tpu.memory_space<vmem>> -> memref<1x256x64xbf16, #tpu.memory_space<vmem>>
      %dma_start3A_124 = tpu.memref_squeeze %dma_start3A_123 : memref<1x256x64xbf16, #tpu.memory_space<vmem>> -> memref<256x64xbf16, #tpu.memory_space<vmem>>
      %dma_start3A_125 = arith.constant 0 : i32
      %dma_start3A_126 = tpu.memref_slice %arg8[%add3A_108, %dma_start3A_125] : memref<52x256xi32, #tpu.memory_space<vmem>> -> memref<1x256xi32, #tpu.memory_space<vmem>>
      %dma_start3A_127 = tpu.memref_squeeze %dma_start3A_126 : memref<1x256xi32, #tpu.memory_space<vmem>> -> memref<256xi32, #tpu.memory_space<vmem>>
      %dma_start3A_128 = arith.constant 0 : i32
      %dma_start3A_129 = arith.constant 0 : i32
      %dma_start3A_130 = tpu.memref_slice %arg10[%dma_start3A_128, %dma_start3A_129] : memref<10240x64xbf16, #tpu.memory_space<vmem_shared>> -> memref<10240x64xbf16, #tpu.memory_space<vmem_shared>>
      tpu.enqueue_indirect_dma source(%dma_start3A_124 : memref<256x64xbf16, #tpu.memory_space<vmem>>) target(%dma_start3A_130 : memref<10240x64xbf16, #tpu.memory_space<vmem_shared>>) offsets(%dma_start3A_127 : memref<256xi32, #tpu.memory_space<vmem>>) semaphore(%arg14 : memref<!tpu.dma_semaphore, #tpu.memory_space<semaphore_mem>>) {add = true}
      %add3A_131 = arith.constant 2 : i32
      %add3A_132 = arith.addi %add3A_108, %add3A_131 : i32
      %sub3A_133 = arith.constant 1 : i32
      %sub3A_134 = arith.subi %add3A_132, %sub3A_133 : i32
      %lt3A_135 = arith.cmpi slt, %sub3A_134, %select_n3A : i32
      %convert_element_type3A_136 = arith.extui %lt3A_135 : i1 to i32
      %cond3A_137 = arith.constant 0 : i32
      %cond3A_138 = arith.cmpi ne, %convert_element_type3A_136, %cond3A_137 : i32
      scf.if %cond3A_138 {
        %gt3A = arith.constant 0 : i32
        %gt3A_139 = arith.cmpi sgt, %add3A_108, %gt3A : i32
        %convert_element_type3A_140 = arith.extui %gt3A_139 : i1 to i32
        %cond3A_141 = arith.constant 0 : i32
        %cond3A_142 = arith.cmpi ne, %convert_element_type3A_140, %cond3A_141 : i32
        scf.if %cond3A_142 {
          %dma_wait3A_154 = arith.constant 0 : i32
          %dma_wait3A_155 = arith.constant 0 : i32
          %dma_wait3A_156 = arith.constant 0 : i32
          %dma_wait3A_157 = tpu.memref_slice %arg9[%dma_wait3A_154, %dma_wait3A_155, %dma_wait3A_156] : memref<2x256x64xbf16, #tpu.memory_space<vmem>> -> memref<1x256x64xbf16, #tpu.memory_space<vmem>>
          %dma_wait3A_158 = tpu.memref_squeeze %dma_wait3A_157 : memref<1x256x64xbf16, #tpu.memory_space<vmem>> -> memref<256x64xbf16, #tpu.memory_space<vmem>>
          %dma_wait3A_159 = arith.constant 0 : i32
          %dma_wait3A_160 = tpu.memref_slice %arg8[%add3A_108, %dma_wait3A_159] : memref<52x256xi32, #tpu.memory_space<vmem>> -> memref<1x256xi32, #tpu.memory_space<vmem>>
          %dma_wait3A_161 = tpu.memref_squeeze %dma_wait3A_160 : memref<1x256xi32, #tpu.memory_space<vmem>> -> memref<256xi32, #tpu.memory_space<vmem>>
          %dma_wait3A_162 = arith.constant 0 : i32
          %dma_wait3A_163 = arith.constant 0 : i32
          %dma_wait3A_164 = tpu.memref_slice %arg10[%dma_wait3A_162, %dma_wait3A_163] : memref<10240x64xbf16, #tpu.memory_space<vmem_shared>> -> memref<10240x64xbf16, #tpu.memory_space<vmem_shared>>
          tpu.wait_indirect_dma semaphore(%arg13 : memref<!tpu.dma_semaphore, #tpu.memory_space<semaphore_mem>>) src(%dma_wait3A_158 : memref<256x64xbf16, #tpu.memory_space<vmem>>) dst(%dma_wait3A_164 : memref<10240x64xbf16, #tpu.memory_space<vmem_shared>>)
        } else {
        }
        %dma_start3A_143 = arith.constant 0 : i32
        %dma_start3A_144 = arith.constant 0 : i32
        %dma_start3A_145 = arith.constant 0 : i32
        %dma_start3A_146 = tpu.memref_slice %arg9[%dma_start3A_143, %dma_start3A_144, %dma_start3A_145] : memref<2x256x64xbf16, #tpu.memory_space<vmem>> -> memref<1x256x64xbf16, #tpu.memory_space<vmem>>
        %dma_start3A_147 = tpu.memref_squeeze %dma_start3A_146 : memref<1x256x64xbf16, #tpu.memory_space<vmem>> -> memref<256x64xbf16, #tpu.memory_space<vmem>>
        %dma_start3A_148 = arith.constant 0 : i32
        %dma_start3A_149 = tpu.memref_slice %arg7[%sub3A_134, %dma_start3A_148] : memref<52x256xi32, #tpu.memory_space<vmem>> -> memref<1x256xi32, #tpu.memory_space<vmem>>
        %dma_start3A_150 = tpu.memref_squeeze %dma_start3A_149 : memref<1x256xi32, #tpu.memory_space<vmem>> -> memref<256xi32, #tpu.memory_space<vmem>>
        %dma_start3A_151 = arith.constant 0 : i32
        %dma_start3A_152 = arith.constant 0 : i32
        %dma_start3A_153 = tpu.memref_slice %arg2[%dma_start3A_151, %dma_start3A_152] : memref<10000x64xbf16, #tpu.memory_space<hbm>> -> memref<10000x64xbf16, #tpu.memory_space<hbm>>
        tpu.enqueue_indirect_dma source(%dma_start3A_153 : memref<10000x64xbf16, #tpu.memory_space<hbm>>) target(%dma_start3A_147 : memref<256x64xbf16, #tpu.memory_space<vmem>>) offsets(%dma_start3A_150 : memref<256xi32, #tpu.memory_space<vmem>>) semaphore(%arg11 : memref<!tpu.dma_semaphore, #tpu.memory_space<semaphore_mem>>)
      } else {
      }
    }
    %while3A_44 = arith.constant 1 : i32
    scf.for %while3A_73 = %while3A_42 to %while3A_38 step %while3A_44  : i32 {
      %mul3A_74 = arith.constant 2 : i32
      %mul3A_75 = arith.muli %while3A_73, %mul3A_74 : i32
      %add3A_76 = arith.constant 0 : i32
      %add3A_77 = arith.addi %mul3A_75, %add3A_76 : i32
      %dma_wait3A_78 = arith.constant 0 : i32
      %dma_wait3A_79 = arith.constant 0 : i32
      %dma_wait3A_80 = arith.constant 0 : i32
      %dma_wait3A_81 = tpu.memref_slice %arg9[%dma_wait3A_78, %dma_wait3A_79, %dma_wait3A_80] : memref<2x256x64xbf16, #tpu.memory_space<vmem>> -> memref<1x256x64xbf16, #tpu.memory_space<vmem>>
      %dma_wait3A_82 = tpu.memref_squeeze %dma_wait3A_81 : memref<1x256x64xbf16, #tpu.memory_space<vmem>> -> memref<256x64xbf16, #tpu.memory_space<vmem>>
      %dma_wait3A_83 = arith.constant 0 : i32
      %dma_wait3A_84 = tpu.memref_slice %arg7[%add3A_77, %dma_wait3A_83] : memref<52x256xi32, #tpu.memory_space<vmem>> -> memref<1x256xi32, #tpu.memory_space<vmem>>
      %dma_wait3A_85 = tpu.memref_squeeze %dma_wait3A_84 : memref<1x256xi32, #tpu.memory_space<vmem>> -> memref<256xi32, #tpu.memory_space<vmem>>
      %dma_wait3A_86 = arith.constant 0 : i32
      %dma_wait3A_87 = arith.constant 0 : i32
      %dma_wait3A_88 = tpu.memref_slice %arg2[%dma_wait3A_86, %dma_wait3A_87] : memref<10000x64xbf16, #tpu.memory_space<hbm>> -> memref<10000x64xbf16, #tpu.memory_space<hbm>>
      tpu.wait_indirect_dma semaphore(%arg11 : memref<!tpu.dma_semaphore, #tpu.memory_space<semaphore_mem>>) src(%dma_wait3A_88 : memref<10000x64xbf16, #tpu.memory_space<hbm>>) dst(%dma_wait3A_82 : memref<256x64xbf16, #tpu.memory_space<vmem>>)
      %dma_start3A_89 = arith.constant 0 : i32
      %dma_start3A_90 = arith.constant 0 : i32
      %dma_start3A_91 = arith.constant 0 : i32
      %dma_start3A_92 = tpu.memref_slice %arg9[%dma_start3A_89, %dma_start3A_90, %dma_start3A_91] : memref<2x256x64xbf16, #tpu.memory_space<vmem>> -> memref<1x256x64xbf16, #tpu.memory_space<vmem>>
      %dma_start3A_93 = tpu.memref_squeeze %dma_start3A_92 : memref<1x256x64xbf16, #tpu.memory_space<vmem>> -> memref<256x64xbf16, #tpu.memory_space<vmem>>
      %dma_start3A_94 = arith.constant 0 : i32
      %dma_start3A_95 = tpu.memref_slice %arg8[%add3A_77, %dma_start3A_94] : memref<52x256xi32, #tpu.memory_space<vmem>> -> memref<1x256xi32, #tpu.memory_space<vmem>>
      %dma_start3A_96 = tpu.memref_squeeze %dma_start3A_95 : memref<1x256xi32, #tpu.memory_space<vmem>> -> memref<256xi32, #tpu.memory_space<vmem>>
      %dma_start3A_97 = arith.constant 0 : i32
      %dma_start3A_98 = arith.constant 0 : i32
      %dma_start3A_99 = tpu.memref_slice %arg10[%dma_start3A_97, %dma_start3A_98] : memref<10240x64xbf16, #tpu.memory_space<vmem_shared>> -> memref<10240x64xbf16, #tpu.memory_space<vmem_shared>>
      tpu.enqueue_indirect_dma source(%dma_start3A_93 : memref<256x64xbf16, #tpu.memory_space<vmem>>) target(%dma_start3A_99 : memref<10240x64xbf16, #tpu.memory_space<vmem_shared>>) offsets(%dma_start3A_96 : memref<256xi32, #tpu.memory_space<vmem>>) semaphore(%arg13 : memref<!tpu.dma_semaphore, #tpu.memory_space<semaphore_mem>>) {add = true}
      %add3A_100 = arith.constant 2 : i32
      %add3A_101 = arith.addi %add3A_77, %add3A_100 : i32
      %sub3A_102 = arith.constant 1 : i32
      %sub3A_103 = arith.subi %add3A_101, %sub3A_102 : i32
      %lt3A = arith.cmpi slt, %sub3A_103, %select_n3A : i32
      %convert_element_type3A = arith.extui %lt3A : i1 to i32
      %cond3A = arith.constant 0 : i32
      %cond3A_104 = arith.cmpi ne, %convert_element_type3A, %cond3A : i32
      scf.if %cond3A_104 {
        %gt3A = arith.constant 0 : i32
        %gt3A_139 = arith.cmpi sgt, %add3A_77, %gt3A : i32
        %convert_element_type3A_140 = arith.extui %gt3A_139 : i1 to i32
        %cond3A_141 = arith.constant 0 : i32
        %cond3A_142 = arith.cmpi ne, %convert_element_type3A_140, %cond3A_141 : i32
        scf.if %cond3A_142 {
          %dma_wait3A_154 = arith.constant 1 : i32
          %dma_wait3A_155 = arith.constant 0 : i32
          %dma_wait3A_156 = arith.constant 0 : i32
          %dma_wait3A_157 = tpu.memref_slice %arg9[%dma_wait3A_154, %dma_wait3A_155, %dma_wait3A_156] : memref<2x256x64xbf16, #tpu.memory_space<vmem>> -> memref<1x256x64xbf16, #tpu.memory_space<vmem>>
          %dma_wait3A_158 = tpu.memref_squeeze %dma_wait3A_157 : memref<1x256x64xbf16, #tpu.memory_space<vmem>> -> memref<256x64xbf16, #tpu.memory_space<vmem>>
          %dma_wait3A_159 = arith.constant 0 : i32
          %dma_wait3A_160 = tpu.memref_slice %arg8[%add3A_77, %dma_wait3A_159] : memref<52x256xi32, #tpu.memory_space<vmem>> -> memref<1x256xi32, #tpu.memory_space<vmem>>
          %dma_wait3A_161 = tpu.memref_squeeze %dma_wait3A_160 : memref<1x256xi32, #tpu.memory_space<vmem>> -> memref<256xi32, #tpu.memory_space<vmem>>
          %dma_wait3A_162 = arith.constant 0 : i32
          %dma_wait3A_163 = arith.constant 0 : i32
          %dma_wait3A_164 = tpu.memref_slice %arg10[%dma_wait3A_162, %dma_wait3A_163] : memref<10240x64xbf16, #tpu.memory_space<vmem_shared>> -> memref<10240x64xbf16, #tpu.memory_space<vmem_shared>>
          tpu.wait_indirect_dma semaphore(%arg14 : memref<!tpu.dma_semaphore, #tpu.memory_space<semaphore_mem>>) src(%dma_wait3A_158 : memref<256x64xbf16, #tpu.memory_space<vmem>>) dst(%dma_wait3A_164 : memref<10240x64xbf16, #tpu.memory_space<vmem_shared>>)
        } else {
        }
        %dma_start3A_143 = arith.constant 1 : i32
        %dma_start3A_144 = arith.constant 0 : i32
        %dma_start3A_145 = arith.constant 0 : i32
        %dma_start3A_146 = tpu.memref_slice %arg9[%dma_start3A_143, %dma_start3A_144, %dma_start3A_145] : memref<2x256x64xbf16, #tpu.memory_space<vmem>> -> memref<1x256x64xbf16, #tpu.memory_space<vmem>>
        %dma_start3A_147 = tpu.memref_squeeze %dma_start3A_146 : memref<1x256x64xbf16, #tpu.memory_space<vmem>> -> memref<256x64xbf16, #tpu.memory_space<vmem>>
        %dma_start3A_148 = arith.constant 0 : i32
        %dma_start3A_149 = tpu.memref_slice %arg7[%sub3A_103, %dma_start3A_148] : memref<52x256xi32, #tpu.memory_space<vmem>> -> memref<1x256xi32, #tpu.memory_space<vmem>>
        %dma_start3A_150 = tpu.memref_squeeze %dma_start3A_149 : memref<1x256xi32, #tpu.memory_space<vmem>> -> memref<256xi32, #tpu.memory_space<vmem>>
        %dma_start3A_151 = arith.constant 0 : i32
        %dma_start3A_152 = arith.constant 0 : i32
        %dma_start3A_153 = tpu.memref_slice %arg2[%dma_start3A_151, %dma_start3A_152] : memref<10000x64xbf16, #tpu.memory_space<hbm>> -> memref<10000x64xbf16, #tpu.memory_space<hbm>>
        tpu.enqueue_indirect_dma source(%dma_start3A_153 : memref<10000x64xbf16, #tpu.memory_space<hbm>>) target(%dma_start3A_147 : memref<256x64xbf16, #tpu.memory_space<vmem>>) offsets(%dma_start3A_150 : memref<256xi32, #tpu.memory_space<vmem>>) semaphore(%arg12 : memref<!tpu.dma_semaphore, #tpu.memory_space<semaphore_mem>>)
      } else {
      }
      %mul3A_105 = arith.constant 2 : i32
      %mul3A_106 = arith.muli %while3A_73, %mul3A_105 : i32
      %add3A_107 = arith.constant 1 : i32
      %add3A_108 = arith.addi %mul3A_106, %add3A_107 : i32
      %dma_wait3A_109 = arith.constant 1 : i32
      %dma_wait3A_110 = arith.constant 0 : i32
      %dma_wait3A_111 = arith.constant 0 : i32
      %dma_wait3A_112 = tpu.memref_slice %arg9[%dma_wait3A_109, %dma_wait3A_110, %dma_wait3A_111] : memref<2x256x64xbf16, #tpu.memory_space<vmem>> -> memref<1x256x64xbf16, #tpu.memory_space<vmem>>
      %dma_wait3A_113 = tpu.memref_squeeze %dma_wait3A_112 : memref<1x256x64xbf16, #tpu.memory_space<vmem>> -> memref<256x64xbf16, #tpu.memory_space<vmem>>
      %dma_wait3A_114 = arith.constant 0 : i32
      %dma_wait3A_115 = tpu.memref_slice %arg7[%add3A_108, %dma_wait3A_114] : memref<52x256xi32, #tpu.memory_space<vmem>> -> memref<1x256xi32, #tpu.memory_space<vmem>>
      %dma_wait3A_116 = tpu.memref_squeeze %dma_wait3A_115 : memref<1x256xi32, #tpu.memory_space<vmem>> -> memref<256xi32, #tpu.memory_space<vmem>>
      %dma_wait3A_117 = arith.constant 0 : i32
      %dma_wait3A_118 = arith.constant 0 : i32
      %dma_wait3A_119 = tpu.memref_slice %arg2[%dma_wait3A_117, %dma_wait3A_118] : memref<10000x64xbf16, #tpu.memory_space<hbm>> -> memref<10000x64xbf16, #tpu.memory_space<hbm>>
      tpu.wait_indirect_dma semaphore(%arg12 : memref<!tpu.dma_semaphore, #tpu.memory_space<semaphore_mem>>) src(%dma_wait3A_119 : memref<10000x64xbf16, #tpu.memory_space<hbm>>) dst(%dma_wait3A_113 : memref<256x64xbf16, #tpu.memory_space<vmem>>)
      %dma_start3A_120 = arith.constant 1 : i32
      %dma_start3A_121 = arith.constant 0 : i32
      %dma_start3A_122 = arith.constant 0 : i32
      %dma_start3A_123 = tpu.memref_slice %arg9[%dma_start3A_120, %dma_start3A_121, %dma_start3A_122] : memref<2x256x64xbf16, #tpu.memory_space<vmem>> -> memref<1x256x64xbf16, #tpu.memory_space<vmem>>
      %dma_start3A_124 = tpu.memref_squeeze %dma_start3A_123 : memref<1x256x64xbf16, #tpu.memory_space<vmem>> -> memref<256x64xbf16, #tpu.memory_space<vmem>>
      %dma_start3A_125 = arith.constant 0 : i32
      %dma_start3A_126 = tpu.memref_slice %arg8[%add3A_108, %dma_start3A_125] : memref<52x256xi32, #tpu.memory_space<vmem>> -> memref<1x256xi32, #tpu.memory_space<vmem>>
      %dma_start3A_127 = tpu.memref_squeeze %dma_start3A_126 : memref<1x256xi32, #tpu.memory_space<vmem>> -> memref<256xi32, #tpu.memory_space<vmem>>
      %dma_start3A_128 = arith.constant 0 : i32
      %dma_start3A_129 = arith.constant 0 : i32
      %dma_start3A_130 = tpu.memref_slice %arg10[%dma_start3A_128, %dma_start3A_129] : memref<10240x64xbf16, #tpu.memory_space<vmem_shared>> -> memref<10240x64xbf16, #tpu.memory_space<vmem_shared>>
      tpu.enqueue_indirect_dma source(%dma_start3A_124 : memref<256x64xbf16, #tpu.memory_space<vmem>>) target(%dma_start3A_130 : memref<10240x64xbf16, #tpu.memory_space<vmem_shared>>) offsets(%dma_start3A_127 : memref<256xi32, #tpu.memory_space<vmem>>) semaphore(%arg14 : memref<!tpu.dma_semaphore, #tpu.memory_space<semaphore_mem>>) {add = true}
      %add3A_131 = arith.constant 2 : i32
      %add3A_132 = arith.addi %add3A_108, %add3A_131 : i32
      %sub3A_133 = arith.constant 1 : i32
      %sub3A_134 = arith.subi %add3A_132, %sub3A_133 : i32
      %lt3A_135 = arith.cmpi slt, %sub3A_134, %select_n3A : i32
      %convert_element_type3A_136 = arith.extui %lt3A_135 : i1 to i32
      %cond3A_137 = arith.constant 0 : i32
      %cond3A_138 = arith.cmpi ne, %convert_element_type3A_136, %cond3A_137 : i32
      scf.if %cond3A_138 {
        %gt3A = arith.constant 0 : i32
        %gt3A_139 = arith.cmpi sgt, %add3A_108, %gt3A : i32
        %convert_element_type3A_140 = arith.extui %gt3A_139 : i1 to i32
        %cond3A_141 = arith.constant 0 : i32
        %cond3A_142 = arith.cmpi ne, %convert_element_type3A_140, %cond3A_141 : i32
        scf.if %cond3A_142 {
          %dma_wait3A_154 = arith.constant 0 : i32
          %dma_wait3A_155 = arith.constant 0 : i32
          %dma_wait3A_156 = arith.constant 0 : i32
          %dma_wait3A_157 = tpu.memref_slice %arg9[%dma_wait3A_154, %dma_wait3A_155, %dma_wait3A_156] : memref<2x256x64xbf16, #tpu.memory_space<vmem>> -> memref<1x256x64xbf16, #tpu.memory_space<vmem>>
          %dma_wait3A_158 = tpu.memref_squeeze %dma_wait3A_157 : memref<1x256x64xbf16, #tpu.memory_space<vmem>> -> memref<256x64xbf16, #tpu.memory_space<vmem>>
          %dma_wait3A_159 = arith.constant 0 : i32
          %dma_wait3A_160 = tpu.memref_slice %arg8[%add3A_108, %dma_wait3A_159] : memref<52x256xi32, #tpu.memory_space<vmem>> -> memref<1x256xi32, #tpu.memory_space<vmem>>
          %dma_wait3A_161 = tpu.memref_squeeze %dma_wait3A_160 : memref<1x256xi32, #tpu.memory_space<vmem>> -> memref<256xi32, #tpu.memory_space<vmem>>
          %dma_wait3A_162 = arith.constant 0 : i32
          %dma_wait3A_163 = arith.constant 0 : i32
          %dma_wait3A_164 = tpu.memref_slice %arg10[%dma_wait3A_162, %dma_wait3A_163] : memref<10240x64xbf16, #tpu.memory_space<vmem_shared>> -> memref<10240x64xbf16, #tpu.memory_space<vmem_shared>>
          tpu.wait_indirect_dma semaphore(%arg13 : memref<!tpu.dma_semaphore, #tpu.memory_space<semaphore_mem>>) src(%dma_wait3A_158 : memref<256x64xbf16, #tpu.memory_space<vmem>>) dst(%dma_wait3A_164 : memref<10240x64xbf16, #tpu.memory_space<vmem_shared>>)
        } else {
        }
        %dma_start3A_143 = arith.constant 0 : i32
        %dma_start3A_144 = arith.constant 0 : i32
        %dma_start3A_145 = arith.constant 0 : i32
        %dma_start3A_146 = tpu.memref_slice %arg9[%dma_start3A_143, %dma_start3A_144, %dma_start3A_145] : memref<2x256x64xbf16, #tpu.memory_space<vmem>> -> memref<1x256x64xbf16, #tpu.memory_space<vmem>>
        %dma_start3A_147 = tpu.memref_squeeze %dma_start3A_146 : memref<1x256x64xbf16, #tpu.memory_space<vmem>> -> memref<256x64xbf16, #tpu.memory_space<vmem>>
        %dma_start3A_148 = arith.constant 0 : i32
        %dma_start3A_149 = tpu.memref_slice %arg7[%sub3A_134, %dma_start3A_148] : memref<52x256xi32, #tpu.memory_space<vmem>> -> memref<1x256xi32, #tpu.memory_space<vmem>>
        %dma_start3A_150 = tpu.memref_squeeze %dma_start3A_149 : memref<1x256xi32, #tpu.memory_space<vmem>> -> memref<256xi32, #tpu.memory_space<vmem>>
        %dma_start3A_151 = arith.constant 0 : i32
        %dma_start3A_152 = arith.constant 0 : i32
        %dma_start3A_153 = tpu.memref_slice %arg2[%dma_start3A_151, %dma_start3A_152] : memref<10000x64xbf16, #tpu.memory_space<hbm>> -> memref<10000x64xbf16, #tpu.memory_space<hbm>>
        tpu.enqueue_indirect_dma source(%dma_start3A_153 : memref<10000x64xbf16, #tpu.memory_space<hbm>>) target(%dma_start3A_147 : memref<256x64xbf16, #tpu.memory_space<vmem>>) offsets(%dma_start3A_150 : memref<256xi32, #tpu.memory_space<vmem>>) semaphore(%arg11 : memref<!tpu.dma_semaphore, #tpu.memory_space<semaphore_mem>>)
      } else {
      }
    }
    %dma_wait3A = arith.constant 0 : i32
    %dma_wait3A_45 = arith.constant 0 : i32
    %dma_wait3A_46 = arith.constant 0 : i32
    %dma_wait3A_47 = arith.constant 0 : i32
    %dma_wait3A_48 = tpu.memref_slice %arg9[%dma_wait3A, %dma_wait3A_46, %dma_wait3A_47] : memref<2x256x64xbf16, #tpu.memory_space<vmem>> -> memref<1x256x64xbf16, #tpu.memory_space<vmem>>
    %dma_wait3A_49 = tpu.memref_squeeze %dma_wait3A_48 : memref<1x256x64xbf16, #tpu.memory_space<vmem>> -> memref<256x64xbf16, #tpu.memory_space<vmem>>
    %dma_wait3A_50 = arith.constant 0 : i32
    %dma_wait3A_51 = tpu.memref_slice %arg8[%dma_wait3A_45, %dma_wait3A_50] : memref<52x256xi32, #tpu.memory_space<vmem>> -> memref<1x256xi32, #tpu.memory_space<vmem>>
    %dma_wait3A_52 = tpu.memref_squeeze %dma_wait3A_51 : memref<1x256xi32, #tpu.memory_space<vmem>> -> memref<256xi32, #tpu.memory_space<vmem>>
    %dma_wait3A_53 = arith.constant 0 : i32
    %dma_wait3A_54 = arith.constant 0 : i32
    %dma_wait3A_55 = tpu.memref_slice %arg10[%dma_wait3A_53, %dma_wait3A_54] : memref<10240x64xbf16, #tpu.memory_space<vmem_shared>> -> memref<10240x64xbf16, #tpu.memory_space<vmem_shared>>
    tpu.wait_indirect_dma semaphore(%arg13 : memref<!tpu.dma_semaphore, #tpu.memory_space<semaphore_mem>>) src(%dma_wait3A_49 : memref<256x64xbf16, #tpu.memory_space<vmem>>) dst(%dma_wait3A_55 : memref<10240x64xbf16, #tpu.memory_space<vmem_shared>>)
    %dma_wait3A_56 = arith.constant 1 : i32
    %dma_wait3A_57 = arith.constant 1 : i32
    %dma_wait3A_58 = arith.constant 0 : i32
    %dma_wait3A_59 = arith.constant 0 : i32
    %dma_wait3A_60 = tpu.memref_slice %arg9[%dma_wait3A_56, %dma_wait3A_58, %dma_wait3A_59] : memref<2x256x64xbf16, #tpu.memory_space<vmem>> -> memref<1x256x64xbf16, #tpu.memory_space<vmem>>
    %dma_wait3A_61 = tpu.memref_squeeze %dma_wait3A_60 : memref<1x256x64xbf16, #tpu.memory_space<vmem>> -> memref<256x64xbf16, #tpu.memory_space<vmem>>
    %dma_wait3A_62 = arith.constant 0 : i32
    %dma_wait3A_63 = tpu.memref_slice %arg8[%dma_wait3A_57, %dma_wait3A_62] : memref<52x256xi32, #tpu.memory_space<vmem>> -> memref<1x256xi32, #tpu.memory_space<vmem>>
    %dma_wait3A_64 = tpu.memref_squeeze %dma_wait3A_63 : memref<1x256xi32, #tpu.memory_space<vmem>> -> memref<256xi32, #tpu.memory_space<vmem>>
    %dma_wait3A_65 = arith.constant 0 : i32
    %dma_wait3A_66 = arith.constant 0 : i32
    %dma_wait3A_67 = tpu.memref_slice %arg10[%dma_wait3A_65, %dma_wait3A_66] : memref<10240x64xbf16, #tpu.memory_space<vmem_shared>> -> memref<10240x64xbf16, #tpu.memory_space<vmem_shared>>
    tpu.wait_indirect_dma semaphore(%arg14 : memref<!tpu.dma_semaphore, #tpu.memory_space<semaphore_mem>>) src(%dma_wait3A_61 : memref<256x64xbf16, #tpu.memory_space<vmem>>) dst(%dma_wait3A_67 : memref<10240x64xbf16, #tpu.memory_space<vmem_shared>>)
    %barrier3A_68 = arith.constant 0 : index
    tpu.barrier barrier_id(%barrier3A_68)
    %mul3A_69 = arith.constant 640 : i32
    %mul3A_70 = arith.muli %arg1, %mul3A_69 : i32
    %mul3A_71 = arith.constant 640 : i32
    %mul3A_72 = arith.muli %arg1, %mul3A_71 : i32
    "tpu.region"() ({
      %run_scoped3A = tpu.sem_alloc : memref<!tpu.dma_semaphore, #tpu.memory_space<semaphore_mem>>
      %dma_start3A_73 = arith.constant 0 : i32
      %dma_start3A_74 = tpu.memref_slice %arg6[%arg0, %mul3A_72, %dma_start3A_73] : memref<2x10240x64xbf16, #tpu.memory_space<hbm>> -> memref<1x640x64xbf16, #tpu.memory_space<hbm>>
      %dma_start3A_75 = tpu.memref_squeeze %dma_start3A_74 : memref<1x640x64xbf16, #tpu.memory_space<hbm>> -> memref<640x64xbf16, #tpu.memory_space<hbm>>
      %dma_start3A_76 = arith.constant 0 : i32
      %dma_start3A_77 = tpu.memref_slice %arg10[%mul3A_70, %dma_start3A_76] : memref<10240x64xbf16, #tpu.memory_space<vmem_shared>> -> memref<640x64xbf16, #tpu.memory_space<vmem_shared>>
      tpu.enqueue_dma source(%dma_start3A_77 : memref<640x64xbf16, #tpu.memory_space<vmem_shared>>) target(%dma_start3A_75 : memref<640x64xbf16, #tpu.memory_space<hbm>>) target_semaphore(%run_scoped3A : memref<!tpu.dma_semaphore, #tpu.memory_space<semaphore_mem>>)
      %dma_wait3A_78 = arith.constant 0 : i32
      %dma_wait3A_79 = tpu.memref_slice %arg6[%arg0, %mul3A_72, %dma_wait3A_78] : memref<2x10240x64xbf16, #tpu.memory_space<hbm>> -> memref<1x640x64xbf16, #tpu.memory_space<hbm>>
      %dma_wait3A_80 = tpu.memref_squeeze %dma_wait3A_79 : memref<1x640x64xbf16, #tpu.memory_space<hbm>> -> memref<640x64xbf16, #tpu.memory_space<hbm>>
      %dma_wait3A_81 = arith.constant 0 : i32
      %dma_wait3A_82 = tpu.memref_slice %arg10[%mul3A_70, %dma_wait3A_81] : memref<10240x64xbf16, #tpu.memory_space<vmem_shared>> -> memref<640x64xbf16, #tpu.memory_space<vmem_shared>>
      tpu.wait_dma2 semaphore(%run_scoped3A : memref<!tpu.dma_semaphore, #tpu.memory_space<semaphore_mem>>) src(%dma_wait3A_82 : memref<640x64xbf16, #tpu.memory_space<vmem_shared>>) dst(%dma_wait3A_80 : memref<640x64xbf16, #tpu.memory_space<hbm>>)
      tpu.yield
    }) : () -> ()
    return
  }
}

#map = affine_map<(d0, d1) -> (0, 0)>
#map1 = affine_map<(d0, d1) -> (0, 0, 0)>
module attributes {stable_mosaic.version = 14 : i64} {
  func.func @body(%arg0: i32, %arg1: i32, %arg2: memref<1664x256xi32, #tpu.memory_space<hbm>>, %arg3: memref<256x16xf32, #tpu.memory_space<hbm>>, %arg4: memref<640x16xf32, #tpu.memory_space<hbm>>, %arg5: memref<2x10240x16xf32, #tpu.memory_space<hbm>>, %arg6: memref<52x256xi32, #tpu.memory_space<vmem>>, %arg7: memref<256x16xf32, #tpu.memory_space<vmem>>, %arg8: memref<10240x16xf32, #tpu.memory_space<vmem_shared>>, %arg9: memref<!tpu.dma_semaphore, #tpu.memory_space<semaphore_mem>>) attributes {dimension_semantics = [#tpu.dimension_semantics<core_parallel>, #tpu.dimension_semantics<subcore_parallel>], iteration_bounds = array<i64: 2, 16>, scalar_prefetch = 0 : i64, scratch_operands = 4 : i64, tpu.core_type = #tpu.core_type<sc_vector_subcore>, window_params = [{transform_indices = #map}, {transform_indices = #map}, {transform_indices = #map}, {transform_indices = #map1}]} {
    %eq3A = arith.constant 0 : i32
    %eq3A_0 = arith.cmpi eq, %arg0, %eq3A : i32
    %jit3A = arith.constant 52 : i32
    %jit3A_1 = arith.constant 28 : i32
    %select_n3A = arith.select %eq3A_0, %jit3A, %jit3A_1 : i32
    %mul3A = arith.constant 16 : i32
    %mul3A_2 = arith.muli %arg0, %mul3A : i32
    %add3A = arith.addi %mul3A_2, %arg1 : i32
    %mul3A_3 = arith.constant 52 : i32
    %mul3A_4 = arith.muli %add3A, %mul3A_3 : i32
    "tpu.region"() ({
      %run_scoped3A = tpu.sem_alloc : memref<!tpu.dma_semaphore, #tpu.memory_space<semaphore_mem>>
      %dma_start3A = arith.constant 0 : i32
      %dma_start3A_39 = tpu.memref_slice %arg2[%mul3A_4, %dma_start3A] : memref<1664x256xi32, #tpu.memory_space<hbm>> -> memref<52x256xi32, #tpu.memory_space<hbm>>
      %dma_start3A_40 = arith.constant 0 : i32
      %dma_start3A_41 = tpu.memref_slice %arg2[%mul3A_4, %dma_start3A_40] : memref<1664x256xi32, #tpu.memory_space<hbm>> -> memref<52x256xi32, #tpu.memory_space<hbm>>
      tpu.enqueue_dma source(%dma_start3A_41 : memref<52x256xi32, #tpu.memory_space<hbm>>) target(%arg6 : memref<52x256xi32, #tpu.memory_space<vmem>>) target_semaphore(%run_scoped3A : memref<!tpu.dma_semaphore, #tpu.memory_space<semaphore_mem>>)
      %dma_wait3A = arith.constant 0 : i32
      %dma_wait3A_42 = tpu.memref_slice %arg2[%mul3A_4, %dma_wait3A] : memref<1664x256xi32, #tpu.memory_space<hbm>> -> memref<52x256xi32, #tpu.memory_space<hbm>>
      %dma_wait3A_43 = arith.constant 0 : i32
      %dma_wait3A_44 = tpu.memref_slice %arg2[%mul3A_4, %dma_wait3A_43] : memref<1664x256xi32, #tpu.memory_space<hbm>> -> memref<52x256xi32, #tpu.memory_space<hbm>>
      tpu.wait_dma2 semaphore(%run_scoped3A : memref<!tpu.dma_semaphore, #tpu.memory_space<semaphore_mem>>) src(%dma_wait3A_44 : memref<52x256xi32, #tpu.memory_space<hbm>>) dst(%arg6 : memref<52x256xi32, #tpu.memory_space<vmem>>)
      tpu.yield
    }) : () -> ()
    "tpu.region"() ({
      %run_scoped3A = tpu.sem_alloc : memref<!tpu.dma_semaphore, #tpu.memory_space<semaphore_mem>>
      tpu.enqueue_dma source(%arg3 : memref<256x16xf32, #tpu.memory_space<hbm>>) target(%arg7 : memref<256x16xf32, #tpu.memory_space<vmem>>) target_semaphore(%run_scoped3A : memref<!tpu.dma_semaphore, #tpu.memory_space<semaphore_mem>>)
      tpu.wait_dma2 semaphore(%run_scoped3A : memref<!tpu.dma_semaphore, #tpu.memory_space<semaphore_mem>>) src(%arg3 : memref<256x16xf32, #tpu.memory_space<hbm>>) dst(%arg7 : memref<256x16xf32, #tpu.memory_space<vmem>>)
      tpu.yield
    }) : () -> ()
    %mul3A_5 = arith.constant 640 : i32
    %mul3A_6 = arith.muli %arg1, %mul3A_5 : i32
    "tpu.region"() ({
      %run_scoped3A = tpu.sem_alloc : memref<!tpu.dma_semaphore, #tpu.memory_space<semaphore_mem>>
      %dma_start3A = arith.constant 0 : i32
      %dma_start3A_39 = tpu.memref_slice %arg8[%mul3A_6, %dma_start3A] : memref<10240x16xf32, #tpu.memory_space<vmem_shared>> -> memref<640x16xf32, #tpu.memory_space<vmem_shared>>
      tpu.enqueue_dma source(%arg4 : memref<640x16xf32, #tpu.memory_space<hbm>>) target(%dma_start3A_39 : memref<640x16xf32, #tpu.memory_space<vmem_shared>>) target_semaphore(%run_scoped3A : memref<!tpu.dma_semaphore, #tpu.memory_space<semaphore_mem>>)
      %dma_wait3A = arith.constant 0 : i32
      %dma_wait3A_40 = tpu.memref_slice %arg8[%mul3A_6, %dma_wait3A] : memref<10240x16xf32, #tpu.memory_space<vmem_shared>> -> memref<640x16xf32, #tpu.memory_space<vmem_shared>>
      tpu.wait_dma2 semaphore(%run_scoped3A : memref<!tpu.dma_semaphore, #tpu.memory_space<semaphore_mem>>) src(%arg4 : memref<640x16xf32, #tpu.memory_space<hbm>>) dst(%dma_wait3A_40 : memref<640x16xf32, #tpu.memory_space<vmem_shared>>)
      tpu.yield
    }) : () -> ()
    %barrier3A = arith.constant 0 : index
    tpu.barrier barrier_id(%barrier3A)
    %jit3A_7 = arith.constant 4 : i32
    %div3A = arith.divsi %select_n3A, %jit3A_7 : i32
    %sign3A = arith.constant 0 : i32
    %sign3A_8 = arith.cmpi sgt, %select_n3A, %sign3A : i32
    %sign3A_9 = arith.extui %sign3A_8 : i1 to i32
    %sign3A_10 = arith.constant 0 : i32
    %sign3A_11 = arith.cmpi slt, %select_n3A, %sign3A_10 : i32
    %sign3A_12 = arith.extui %sign3A_11 : i1 to i32
    %sign3A_13 = arith.subi %sign3A_9, %sign3A_12 : i32
    %sign3A_14 = arith.constant 0 : i32
    %sign3A_15 = arith.cmpi sgt, %jit3A_7, %sign3A_14 : i32
    %sign3A_16 = arith.extui %sign3A_15 : i1 to i32
    %sign3A_17 = arith.constant 0 : i32
    %sign3A_18 = arith.cmpi slt, %jit3A_7, %sign3A_17 : i32
    %sign3A_19 = arith.extui %sign3A_18 : i1 to i32
    %sign3A_20 = arith.subi %sign3A_16, %sign3A_19 : i32
    %ne3A = arith.cmpi ne, %sign3A_13, %sign3A_20 : i32
    %rem3A = arith.remsi %select_n3A, %jit3A_7 : i32
    %ne3A_21 = arith.constant 0 : i32
    %ne3A_22 = arith.cmpi ne, %rem3A, %ne3A_21 : i32
    %and3A = arith.andi %ne3A, %ne3A_22 : i1
    %sub3A = arith.constant 1 : i32
    %sub3A_23 = arith.subi %div3A, %sub3A : i32
    %select_n3A_24 = arith.select %and3A, %sub3A_23, %div3A : i32
    %while3A = arith.constant 0 : i32
    %while3A_25 = arith.constant 0 : i32
    %while3A_26 = arith.subi %select_n3A_24, %while3A_25 : i32
    %while3A_27 = arith.addi %while3A_25, %while3A_26 : i32
    %while3A_28 = arith.constant 1 : i32
    %while3A_29 = arith.divsi %while3A_26, %while3A_28 : i32
    %while3A_30 = arith.muli %while3A_29, %while3A_28 : i32
    %while3A_31 = arith.addi %while3A_25, %while3A_30 : i32
    %while3A_32 = arith.constant 1 : i32
    scf.for %while3A_39 = %while3A_25 to %while3A_31 step %while3A_32  : i32 {
      %mul3A_40 = arith.constant 4 : i32
      %mul3A_41 = arith.muli %while3A_39, %mul3A_40 : i32
      %add3A_42 = arith.constant 0 : i32
      %add3A_43 = arith.addi %mul3A_41, %add3A_42 : i32
      %dma_start3A = arith.constant 0 : i32
      %dma_start3A_44 = tpu.memref_slice %arg6[%add3A_43, %dma_start3A] : memref<52x256xi32, #tpu.memory_space<vmem>> -> memref<1x256xi32, #tpu.memory_space<vmem>>
      %dma_start3A_45 = tpu.memref_squeeze %dma_start3A_44 : memref<1x256xi32, #tpu.memory_space<vmem>> -> memref<256xi32, #tpu.memory_space<vmem>>
      %dma_start3A_46 = arith.constant 0 : i32
      %dma_start3A_47 = arith.constant 0 : i32
      %dma_start3A_48 = tpu.memref_slice %arg8[%dma_start3A_46, %dma_start3A_47] : memref<10240x16xf32, #tpu.memory_space<vmem_shared>> -> memref<10240x16xf32, #tpu.memory_space<vmem_shared>>
      tpu.enqueue_indirect_dma source(%arg7 : memref<256x16xf32, #tpu.memory_space<vmem>>) target(%dma_start3A_48 : memref<10240x16xf32, #tpu.memory_space<vmem_shared>>) offsets(%dma_start3A_45 : memref<256xi32, #tpu.memory_space<vmem>>) semaphore(%arg9 : memref<!tpu.dma_semaphore, #tpu.memory_space<semaphore_mem>>) {add = true}
      %mul3A_49 = arith.constant 4 : i32
      %mul3A_50 = arith.muli %while3A_39, %mul3A_49 : i32
      %add3A_51 = arith.constant 1 : i32
      %add3A_52 = arith.addi %mul3A_50, %add3A_51 : i32
      %dma_start3A_53 = arith.constant 0 : i32
      %dma_start3A_54 = tpu.memref_slice %arg6[%add3A_52, %dma_start3A_53] : memref<52x256xi32, #tpu.memory_space<vmem>> -> memref<1x256xi32, #tpu.memory_space<vmem>>
      %dma_start3A_55 = tpu.memref_squeeze %dma_start3A_54 : memref<1x256xi32, #tpu.memory_space<vmem>> -> memref<256xi32, #tpu.memory_space<vmem>>
      %dma_start3A_56 = arith.constant 0 : i32
      %dma_start3A_57 = arith.constant 0 : i32
      %dma_start3A_58 = tpu.memref_slice %arg8[%dma_start3A_56, %dma_start3A_57] : memref<10240x16xf32, #tpu.memory_space<vmem_shared>> -> memref<10240x16xf32, #tpu.memory_space<vmem_shared>>
      tpu.enqueue_indirect_dma source(%arg7 : memref<256x16xf32, #tpu.memory_space<vmem>>) target(%dma_start3A_58 : memref<10240x16xf32, #tpu.memory_space<vmem_shared>>) offsets(%dma_start3A_55 : memref<256xi32, #tpu.memory_space<vmem>>) semaphore(%arg9 : memref<!tpu.dma_semaphore, #tpu.memory_space<semaphore_mem>>) {add = true}
      %mul3A_59 = arith.constant 4 : i32
      %mul3A_60 = arith.muli %while3A_39, %mul3A_59 : i32
      %add3A_61 = arith.constant 2 : i32
      %add3A_62 = arith.addi %mul3A_60, %add3A_61 : i32
      %dma_start3A_63 = arith.constant 0 : i32
      %dma_start3A_64 = tpu.memref_slice %arg6[%add3A_62, %dma_start3A_63] : memref<52x256xi32, #tpu.memory_space<vmem>> -> memref<1x256xi32, #tpu.memory_space<vmem>>
      %dma_start3A_65 = tpu.memref_squeeze %dma_start3A_64 : memref<1x256xi32, #tpu.memory_space<vmem>> -> memref<256xi32, #tpu.memory_space<vmem>>
      %dma_start3A_66 = arith.constant 0 : i32
      %dma_start3A_67 = arith.constant 0 : i32
      %dma_start3A_68 = tpu.memref_slice %arg8[%dma_start3A_66, %dma_start3A_67] : memref<10240x16xf32, #tpu.memory_space<vmem_shared>> -> memref<10240x16xf32, #tpu.memory_space<vmem_shared>>
      tpu.enqueue_indirect_dma source(%arg7 : memref<256x16xf32, #tpu.memory_space<vmem>>) target(%dma_start3A_68 : memref<10240x16xf32, #tpu.memory_space<vmem_shared>>) offsets(%dma_start3A_65 : memref<256xi32, #tpu.memory_space<vmem>>) semaphore(%arg9 : memref<!tpu.dma_semaphore, #tpu.memory_space<semaphore_mem>>) {add = true}
      %mul3A_69 = arith.constant 4 : i32
      %mul3A_70 = arith.muli %while3A_39, %mul3A_69 : i32
      %add3A_71 = arith.constant 3 : i32
      %add3A_72 = arith.addi %mul3A_70, %add3A_71 : i32
      %dma_start3A_73 = arith.constant 0 : i32
      %dma_start3A_74 = tpu.memref_slice %arg6[%add3A_72, %dma_start3A_73] : memref<52x256xi32, #tpu.memory_space<vmem>> -> memref<1x256xi32, #tpu.memory_space<vmem>>
      %dma_start3A_75 = tpu.memref_squeeze %dma_start3A_74 : memref<1x256xi32, #tpu.memory_space<vmem>> -> memref<256xi32, #tpu.memory_space<vmem>>
      %dma_start3A_76 = arith.constant 0 : i32
      %dma_start3A_77 = arith.constant 0 : i32
      %dma_start3A_78 = tpu.memref_slice %arg8[%dma_start3A_76, %dma_start3A_77] : memref<10240x16xf32, #tpu.memory_space<vmem_shared>> -> memref<10240x16xf32, #tpu.memory_space<vmem_shared>>
      tpu.enqueue_indirect_dma source(%arg7 : memref<256x16xf32, #tpu.memory_space<vmem>>) target(%dma_start3A_78 : memref<10240x16xf32, #tpu.memory_space<vmem_shared>>) offsets(%dma_start3A_75 : memref<256xi32, #tpu.memory_space<vmem>>) semaphore(%arg9 : memref<!tpu.dma_semaphore, #tpu.memory_space<semaphore_mem>>) {add = true}
      %dma_wait3A = arith.constant 0 : i32
      %dma_wait3A_79 = tpu.memref_slice %arg6[%add3A_43, %dma_wait3A] : memref<52x256xi32, #tpu.memory_space<vmem>> -> memref<1x256xi32, #tpu.memory_space<vmem>>
      %dma_wait3A_80 = tpu.memref_squeeze %dma_wait3A_79 : memref<1x256xi32, #tpu.memory_space<vmem>> -> memref<256xi32, #tpu.memory_space<vmem>>
      %dma_wait3A_81 = arith.constant 0 : i32
      %dma_wait3A_82 = arith.constant 0 : i32
      %dma_wait3A_83 = tpu.memref_slice %arg8[%dma_wait3A_81, %dma_wait3A_82] : memref<10240x16xf32, #tpu.memory_space<vmem_shared>> -> memref<10240x16xf32, #tpu.memory_space<vmem_shared>>
      tpu.wait_indirect_dma semaphore(%arg9 : memref<!tpu.dma_semaphore, #tpu.memory_space<semaphore_mem>>) src(%arg7 : memref<256x16xf32, #tpu.memory_space<vmem>>) dst(%dma_wait3A_83 : memref<10240x16xf32, #tpu.memory_space<vmem_shared>>)
      %dma_wait3A_84 = arith.constant 0 : i32
      %dma_wait3A_85 = tpu.memref_slice %arg6[%add3A_52, %dma_wait3A_84] : memref<52x256xi32, #tpu.memory_space<vmem>> -> memref<1x256xi32, #tpu.memory_space<vmem>>
      %dma_wait3A_86 = tpu.memref_squeeze %dma_wait3A_85 : memref<1x256xi32, #tpu.memory_space<vmem>> -> memref<256xi32, #tpu.memory_space<vmem>>
      %dma_wait3A_87 = arith.constant 0 : i32
      %dma_wait3A_88 = arith.constant 0 : i32
      %dma_wait3A_89 = tpu.memref_slice %arg8[%dma_wait3A_87, %dma_wait3A_88] : memref<10240x16xf32, #tpu.memory_space<vmem_shared>> -> memref<10240x16xf32, #tpu.memory_space<vmem_shared>>
      tpu.wait_indirect_dma semaphore(%arg9 : memref<!tpu.dma_semaphore, #tpu.memory_space<semaphore_mem>>) src(%arg7 : memref<256x16xf32, #tpu.memory_space<vmem>>) dst(%dma_wait3A_89 : memref<10240x16xf32, #tpu.memory_space<vmem_shared>>)
      %dma_wait3A_90 = arith.constant 0 : i32
      %dma_wait3A_91 = tpu.memref_slice %arg6[%add3A_62, %dma_wait3A_90] : memref<52x256xi32, #tpu.memory_space<vmem>> -> memref<1x256xi32, #tpu.memory_space<vmem>>
      %dma_wait3A_92 = tpu.memref_squeeze %dma_wait3A_91 : memref<1x256xi32, #tpu.memory_space<vmem>> -> memref<256xi32, #tpu.memory_space<vmem>>
      %dma_wait3A_93 = arith.constant 0 : i32
      %dma_wait3A_94 = arith.constant 0 : i32
      %dma_wait3A_95 = tpu.memref_slice %arg8[%dma_wait3A_93, %dma_wait3A_94] : memref<10240x16xf32, #tpu.memory_space<vmem_shared>> -> memref<10240x16xf32, #tpu.memory_space<vmem_shared>>
      tpu.wait_indirect_dma semaphore(%arg9 : memref<!tpu.dma_semaphore, #tpu.memory_space<semaphore_mem>>) src(%arg7 : memref<256x16xf32, #tpu.memory_space<vmem>>) dst(%dma_wait3A_95 : memref<10240x16xf32, #tpu.memory_space<vmem_shared>>)
      %dma_wait3A_96 = arith.constant 0 : i32
      %dma_wait3A_97 = tpu.memref_slice %arg6[%add3A_72, %dma_wait3A_96] : memref<52x256xi32, #tpu.memory_space<vmem>> -> memref<1x256xi32, #tpu.memory_space<vmem>>
      %dma_wait3A_98 = tpu.memref_squeeze %dma_wait3A_97 : memref<1x256xi32, #tpu.memory_space<vmem>> -> memref<256xi32, #tpu.memory_space<vmem>>
      %dma_wait3A_99 = arith.constant 0 : i32
      %dma_wait3A_100 = arith.constant 0 : i32
      %dma_wait3A_101 = tpu.memref_slice %arg8[%dma_wait3A_99, %dma_wait3A_100] : memref<10240x16xf32, #tpu.memory_space<vmem_shared>> -> memref<10240x16xf32, #tpu.memory_space<vmem_shared>>
      tpu.wait_indirect_dma semaphore(%arg9 : memref<!tpu.dma_semaphore, #tpu.memory_space<semaphore_mem>>) src(%arg7 : memref<256x16xf32, #tpu.memory_space<vmem>>) dst(%dma_wait3A_101 : memref<10240x16xf32, #tpu.memory_space<vmem_shared>>)
    }
    %while3A_33 = arith.constant 1 : i32
    scf.for %while3A_39 = %while3A_31 to %while3A_27 step %while3A_33  : i32 {
      %mul3A_40 = arith.constant 4 : i32
      %mul3A_41 = arith.muli %while3A_39, %mul3A_40 : i32
      %add3A_42 = arith.constant 0 : i32
      %add3A_43 = arith.addi %mul3A_41, %add3A_42 : i32
      %dma_start3A = arith.constant 0 : i32
      %dma_start3A_44 = tpu.memref_slice %arg6[%add3A_43, %dma_start3A] : memref<52x256xi32, #tpu.memory_space<vmem>> -> memref<1x256xi32, #tpu.memory_space<vmem>>
      %dma_start3A_45 = tpu.memref_squeeze %dma_start3A_44 : memref<1x256xi32, #tpu.memory_space<vmem>> -> memref<256xi32, #tpu.memory_space<vmem>>
      %dma_start3A_46 = arith.constant 0 : i32
      %dma_start3A_47 = arith.constant 0 : i32
      %dma_start3A_48 = tpu.memref_slice %arg8[%dma_start3A_46, %dma_start3A_47] : memref<10240x16xf32, #tpu.memory_space<vmem_shared>> -> memref<10240x16xf32, #tpu.memory_space<vmem_shared>>
      tpu.enqueue_indirect_dma source(%arg7 : memref<256x16xf32, #tpu.memory_space<vmem>>) target(%dma_start3A_48 : memref<10240x16xf32, #tpu.memory_space<vmem_shared>>) offsets(%dma_start3A_45 : memref<256xi32, #tpu.memory_space<vmem>>) semaphore(%arg9 : memref<!tpu.dma_semaphore, #tpu.memory_space<semaphore_mem>>) {add = true}
      %mul3A_49 = arith.constant 4 : i32
      %mul3A_50 = arith.muli %while3A_39, %mul3A_49 : i32
      %add3A_51 = arith.constant 1 : i32
      %add3A_52 = arith.addi %mul3A_50, %add3A_51 : i32
      %dma_start3A_53 = arith.constant 0 : i32
      %dma_start3A_54 = tpu.memref_slice %arg6[%add3A_52, %dma_start3A_53] : memref<52x256xi32, #tpu.memory_space<vmem>> -> memref<1x256xi32, #tpu.memory_space<vmem>>
      %dma_start3A_55 = tpu.memref_squeeze %dma_start3A_54 : memref<1x256xi32, #tpu.memory_space<vmem>> -> memref<256xi32, #tpu.memory_space<vmem>>
      %dma_start3A_56 = arith.constant 0 : i32
      %dma_start3A_57 = arith.constant 0 : i32
      %dma_start3A_58 = tpu.memref_slice %arg8[%dma_start3A_56, %dma_start3A_57] : memref<10240x16xf32, #tpu.memory_space<vmem_shared>> -> memref<10240x16xf32, #tpu.memory_space<vmem_shared>>
      tpu.enqueue_indirect_dma source(%arg7 : memref<256x16xf32, #tpu.memory_space<vmem>>) target(%dma_start3A_58 : memref<10240x16xf32, #tpu.memory_space<vmem_shared>>) offsets(%dma_start3A_55 : memref<256xi32, #tpu.memory_space<vmem>>) semaphore(%arg9 : memref<!tpu.dma_semaphore, #tpu.memory_space<semaphore_mem>>) {add = true}
      %mul3A_59 = arith.constant 4 : i32
      %mul3A_60 = arith.muli %while3A_39, %mul3A_59 : i32
      %add3A_61 = arith.constant 2 : i32
      %add3A_62 = arith.addi %mul3A_60, %add3A_61 : i32
      %dma_start3A_63 = arith.constant 0 : i32
      %dma_start3A_64 = tpu.memref_slice %arg6[%add3A_62, %dma_start3A_63] : memref<52x256xi32, #tpu.memory_space<vmem>> -> memref<1x256xi32, #tpu.memory_space<vmem>>
      %dma_start3A_65 = tpu.memref_squeeze %dma_start3A_64 : memref<1x256xi32, #tpu.memory_space<vmem>> -> memref<256xi32, #tpu.memory_space<vmem>>
      %dma_start3A_66 = arith.constant 0 : i32
      %dma_start3A_67 = arith.constant 0 : i32
      %dma_start3A_68 = tpu.memref_slice %arg8[%dma_start3A_66, %dma_start3A_67] : memref<10240x16xf32, #tpu.memory_space<vmem_shared>> -> memref<10240x16xf32, #tpu.memory_space<vmem_shared>>
      tpu.enqueue_indirect_dma source(%arg7 : memref<256x16xf32, #tpu.memory_space<vmem>>) target(%dma_start3A_68 : memref<10240x16xf32, #tpu.memory_space<vmem_shared>>) offsets(%dma_start3A_65 : memref<256xi32, #tpu.memory_space<vmem>>) semaphore(%arg9 : memref<!tpu.dma_semaphore, #tpu.memory_space<semaphore_mem>>) {add = true}
      %mul3A_69 = arith.constant 4 : i32
      %mul3A_70 = arith.muli %while3A_39, %mul3A_69 : i32
      %add3A_71 = arith.constant 3 : i32
      %add3A_72 = arith.addi %mul3A_70, %add3A_71 : i32
      %dma_start3A_73 = arith.constant 0 : i32
      %dma_start3A_74 = tpu.memref_slice %arg6[%add3A_72, %dma_start3A_73] : memref<52x256xi32, #tpu.memory_space<vmem>> -> memref<1x256xi32, #tpu.memory_space<vmem>>
      %dma_start3A_75 = tpu.memref_squeeze %dma_start3A_74 : memref<1x256xi32, #tpu.memory_space<vmem>> -> memref<256xi32, #tpu.memory_space<vmem>>
      %dma_start3A_76 = arith.constant 0 : i32
      %dma_start3A_77 = arith.constant 0 : i32
      %dma_start3A_78 = tpu.memref_slice %arg8[%dma_start3A_76, %dma_start3A_77] : memref<10240x16xf32, #tpu.memory_space<vmem_shared>> -> memref<10240x16xf32, #tpu.memory_space<vmem_shared>>
      tpu.enqueue_indirect_dma source(%arg7 : memref<256x16xf32, #tpu.memory_space<vmem>>) target(%dma_start3A_78 : memref<10240x16xf32, #tpu.memory_space<vmem_shared>>) offsets(%dma_start3A_75 : memref<256xi32, #tpu.memory_space<vmem>>) semaphore(%arg9 : memref<!tpu.dma_semaphore, #tpu.memory_space<semaphore_mem>>) {add = true}
      %dma_wait3A = arith.constant 0 : i32
      %dma_wait3A_79 = tpu.memref_slice %arg6[%add3A_43, %dma_wait3A] : memref<52x256xi32, #tpu.memory_space<vmem>> -> memref<1x256xi32, #tpu.memory_space<vmem>>
      %dma_wait3A_80 = tpu.memref_squeeze %dma_wait3A_79 : memref<1x256xi32, #tpu.memory_space<vmem>> -> memref<256xi32, #tpu.memory_space<vmem>>
      %dma_wait3A_81 = arith.constant 0 : i32
      %dma_wait3A_82 = arith.constant 0 : i32
      %dma_wait3A_83 = tpu.memref_slice %arg8[%dma_wait3A_81, %dma_wait3A_82] : memref<10240x16xf32, #tpu.memory_space<vmem_shared>> -> memref<10240x16xf32, #tpu.memory_space<vmem_shared>>
      tpu.wait_indirect_dma semaphore(%arg9 : memref<!tpu.dma_semaphore, #tpu.memory_space<semaphore_mem>>) src(%arg7 : memref<256x16xf32, #tpu.memory_space<vmem>>) dst(%dma_wait3A_83 : memref<10240x16xf32, #tpu.memory_space<vmem_shared>>)
      %dma_wait3A_84 = arith.constant 0 : i32
      %dma_wait3A_85 = tpu.memref_slice %arg6[%add3A_52, %dma_wait3A_84] : memref<52x256xi32, #tpu.memory_space<vmem>> -> memref<1x256xi32, #tpu.memory_space<vmem>>
      %dma_wait3A_86 = tpu.memref_squeeze %dma_wait3A_85 : memref<1x256xi32, #tpu.memory_space<vmem>> -> memref<256xi32, #tpu.memory_space<vmem>>
      %dma_wait3A_87 = arith.constant 0 : i32
      %dma_wait3A_88 = arith.constant 0 : i32
      %dma_wait3A_89 = tpu.memref_slice %arg8[%dma_wait3A_87, %dma_wait3A_88] : memref<10240x16xf32, #tpu.memory_space<vmem_shared>> -> memref<10240x16xf32, #tpu.memory_space<vmem_shared>>
      tpu.wait_indirect_dma semaphore(%arg9 : memref<!tpu.dma_semaphore, #tpu.memory_space<semaphore_mem>>) src(%arg7 : memref<256x16xf32, #tpu.memory_space<vmem>>) dst(%dma_wait3A_89 : memref<10240x16xf32, #tpu.memory_space<vmem_shared>>)
      %dma_wait3A_90 = arith.constant 0 : i32
      %dma_wait3A_91 = tpu.memref_slice %arg6[%add3A_62, %dma_wait3A_90] : memref<52x256xi32, #tpu.memory_space<vmem>> -> memref<1x256xi32, #tpu.memory_space<vmem>>
      %dma_wait3A_92 = tpu.memref_squeeze %dma_wait3A_91 : memref<1x256xi32, #tpu.memory_space<vmem>> -> memref<256xi32, #tpu.memory_space<vmem>>
      %dma_wait3A_93 = arith.constant 0 : i32
      %dma_wait3A_94 = arith.constant 0 : i32
      %dma_wait3A_95 = tpu.memref_slice %arg8[%dma_wait3A_93, %dma_wait3A_94] : memref<10240x16xf32, #tpu.memory_space<vmem_shared>> -> memref<10240x16xf32, #tpu.memory_space<vmem_shared>>
      tpu.wait_indirect_dma semaphore(%arg9 : memref<!tpu.dma_semaphore, #tpu.memory_space<semaphore_mem>>) src(%arg7 : memref<256x16xf32, #tpu.memory_space<vmem>>) dst(%dma_wait3A_95 : memref<10240x16xf32, #tpu.memory_space<vmem_shared>>)
      %dma_wait3A_96 = arith.constant 0 : i32
      %dma_wait3A_97 = tpu.memref_slice %arg6[%add3A_72, %dma_wait3A_96] : memref<52x256xi32, #tpu.memory_space<vmem>> -> memref<1x256xi32, #tpu.memory_space<vmem>>
      %dma_wait3A_98 = tpu.memref_squeeze %dma_wait3A_97 : memref<1x256xi32, #tpu.memory_space<vmem>> -> memref<256xi32, #tpu.memory_space<vmem>>
      %dma_wait3A_99 = arith.constant 0 : i32
      %dma_wait3A_100 = arith.constant 0 : i32
      %dma_wait3A_101 = tpu.memref_slice %arg8[%dma_wait3A_99, %dma_wait3A_100] : memref<10240x16xf32, #tpu.memory_space<vmem_shared>> -> memref<10240x16xf32, #tpu.memory_space<vmem_shared>>
      tpu.wait_indirect_dma semaphore(%arg9 : memref<!tpu.dma_semaphore, #tpu.memory_space<semaphore_mem>>) src(%arg7 : memref<256x16xf32, #tpu.memory_space<vmem>>) dst(%dma_wait3A_101 : memref<10240x16xf32, #tpu.memory_space<vmem_shared>>)
    }
    %barrier3A_34 = arith.constant 0 : index
    tpu.barrier barrier_id(%barrier3A_34)
    %mul3A_35 = arith.constant 640 : i32
    %mul3A_36 = arith.muli %arg1, %mul3A_35 : i32
    %mul3A_37 = arith.constant 640 : i32
    %mul3A_38 = arith.muli %arg1, %mul3A_37 : i32
    "tpu.region"() ({
      %run_scoped3A = tpu.sem_alloc : memref<!tpu.dma_semaphore, #tpu.memory_space<semaphore_mem>>
      %dma_start3A = arith.constant 0 : i32
      %dma_start3A_39 = tpu.memref_slice %arg5[%arg0, %mul3A_38, %dma_start3A] : memref<2x10240x16xf32, #tpu.memory_space<hbm>> -> memref<1x640x16xf32, #tpu.memory_space<hbm>>
      %dma_start3A_40 = tpu.memref_squeeze %dma_start3A_39 : memref<1x640x16xf32, #tpu.memory_space<hbm>> -> memref<640x16xf32, #tpu.memory_space<hbm>>
      %dma_start3A_41 = arith.constant 0 : i32
      %dma_start3A_42 = tpu.memref_slice %arg8[%mul3A_36, %dma_start3A_41] : memref<10240x16xf32, #tpu.memory_space<vmem_shared>> -> memref<640x16xf32, #tpu.memory_space<vmem_shared>>
      tpu.enqueue_dma source(%dma_start3A_42 : memref<640x16xf32, #tpu.memory_space<vmem_shared>>) target(%dma_start3A_40 : memref<640x16xf32, #tpu.memory_space<hbm>>) target_semaphore(%run_scoped3A : memref<!tpu.dma_semaphore, #tpu.memory_space<semaphore_mem>>)
      %dma_wait3A = arith.constant 0 : i32
      %dma_wait3A_43 = tpu.memref_slice %arg5[%arg0, %mul3A_38, %dma_wait3A] : memref<2x10240x16xf32, #tpu.memory_space<hbm>> -> memref<1x640x16xf32, #tpu.memory_space<hbm>>
      %dma_wait3A_44 = tpu.memref_squeeze %dma_wait3A_43 : memref<1x640x16xf32, #tpu.memory_space<hbm>> -> memref<640x16xf32, #tpu.memory_space<hbm>>
      %dma_wait3A_45 = arith.constant 0 : i32
      %dma_wait3A_46 = tpu.memref_slice %arg8[%mul3A_36, %dma_wait3A_45] : memref<10240x16xf32, #tpu.memory_space<vmem_shared>> -> memref<640x16xf32, #tpu.memory_space<vmem_shared>>
      tpu.wait_dma2 semaphore(%run_scoped3A : memref<!tpu.dma_semaphore, #tpu.memory_space<semaphore_mem>>) src(%dma_wait3A_46 : memref<640x16xf32, #tpu.memory_space<vmem_shared>>) dst(%dma_wait3A_44 : memref<640x16xf32, #tpu.memory_space<hbm>>)
      tpu.yield
    }) : () -> ()
    return
  }
}

#map = affine_map<(d0, d1) -> (0, 0)>
#map1 = affine_map<(d0, d1) -> (0, 0, 0)>
module attributes {stable_mosaic.version = 14 : i64} {
  func.func @body(%arg0: i32, %arg1: i32, %arg2: memref<10000x32xbf16, #tpu.memory_space<hbm>>, %arg3: memref<1664x256xi32, #tpu.memory_space<hbm>>, %arg4: memref<1664x256xi32, #tpu.memory_space<hbm>>, %arg5: memref<640x32xbf16, #tpu.memory_space<hbm>>, %arg6: memref<2x10240x32xbf16, #tpu.memory_space<hbm>>, %arg7: memref<52x256xi32, #tpu.memory_space<vmem>>, %arg8: memref<52x256xi32, #tpu.memory_space<vmem>>, %arg9: memref<2x256x32xbf16, #tpu.memory_space<vmem>>, %arg10: memref<10240x32xbf16, #tpu.memory_space<vmem_shared>>, %arg11: memref<!tpu.dma_semaphore, #tpu.memory_space<semaphore_mem>>, %arg12: memref<!tpu.dma_semaphore, #tpu.memory_space<semaphore_mem>>, %arg13: memref<!tpu.dma_semaphore, #tpu.memory_space<semaphore_mem>>, %arg14: memref<!tpu.dma_semaphore, #tpu.memory_space<semaphore_mem>>) attributes {dimension_semantics = [#tpu.dimension_semantics<core_parallel>, #tpu.dimension_semantics<subcore_parallel>], iteration_bounds = array<i64: 2, 16>, scalar_prefetch = 0 : i64, scratch_operands = 8 : i64, tpu.core_type = #tpu.core_type<sc_vector_subcore>, window_params = [{transform_indices = #map}, {transform_indices = #map}, {transform_indices = #map}, {transform_indices = #map}, {transform_indices = #map1}]} {
    %eq3A = arith.constant 0 : i32
    %eq3A_0 = arith.cmpi eq, %arg0, %eq3A : i32
    %jit3A = arith.constant 52 : i32
    %jit3A_1 = arith.constant 28 : i32
    %select_n3A = arith.select %eq3A_0, %jit3A, %jit3A_1 : i32
    %mul3A = arith.constant 16 : i32
    %mul3A_2 = arith.muli %arg0, %mul3A : i32
    %add3A = arith.addi %mul3A_2, %arg1 : i32
    %mul3A_3 = arith.constant 52 : i32
    %mul3A_4 = arith.muli %add3A, %mul3A_3 : i32
    "tpu.region"() ({
      %run_scoped3A = tpu.sem_alloc : memref<!tpu.dma_semaphore, #tpu.memory_space<semaphore_mem>>
      %dma_start3A_73 = arith.constant 0 : i32
      %dma_start3A_74 = tpu.memref_slice %arg3[%mul3A_4, %dma_start3A_73] : memref<1664x256xi32, #tpu.memory_space<hbm>> -> memref<52x256xi32, #tpu.memory_space<hbm>>
      %dma_start3A_75 = arith.constant 0 : i32
      %dma_start3A_76 = tpu.memref_slice %arg3[%mul3A_4, %dma_start3A_75] : memref<1664x256xi32, #tpu.memory_space<hbm>> -> memref<52x256xi32, #tpu.memory_space<hbm>>
      tpu.enqueue_dma source(%dma_start3A_76 : memref<52x256xi32, #tpu.memory_space<hbm>>) target(%arg7 : memref<52x256xi32, #tpu.memory_space<vmem>>) target_semaphore(%run_scoped3A : memref<!tpu.dma_semaphore, #tpu.memory_space<semaphore_mem>>)
      %dma_wait3A_77 = arith.constant 0 : i32
      %dma_wait3A_78 = tpu.memref_slice %arg3[%mul3A_4, %dma_wait3A_77] : memref<1664x256xi32, #tpu.memory_space<hbm>> -> memref<52x256xi32, #tpu.memory_space<hbm>>
      %dma_wait3A_79 = arith.constant 0 : i32
      %dma_wait3A_80 = tpu.memref_slice %arg3[%mul3A_4, %dma_wait3A_79] : memref<1664x256xi32, #tpu.memory_space<hbm>> -> memref<52x256xi32, #tpu.memory_space<hbm>>
      tpu.wait_dma2 semaphore(%run_scoped3A : memref<!tpu.dma_semaphore, #tpu.memory_space<semaphore_mem>>) src(%dma_wait3A_80 : memref<52x256xi32, #tpu.memory_space<hbm>>) dst(%arg7 : memref<52x256xi32, #tpu.memory_space<vmem>>)
      tpu.yield
    }) : () -> ()
    "tpu.region"() ({
      %run_scoped3A = tpu.sem_alloc : memref<!tpu.dma_semaphore, #tpu.memory_space<semaphore_mem>>
      %dma_start3A_73 = arith.constant 0 : i32
      %dma_start3A_74 = tpu.memref_slice %arg4[%mul3A_4, %dma_start3A_73] : memref<1664x256xi32, #tpu.memory_space<hbm>> -> memref<52x256xi32, #tpu.memory_space<hbm>>
      %dma_start3A_75 = arith.constant 0 : i32
      %dma_start3A_76 = tpu.memref_slice %arg4[%mul3A_4, %dma_start3A_75] : memref<1664x256xi32, #tpu.memory_space<hbm>> -> memref<52x256xi32, #tpu.memory_space<hbm>>
      tpu.enqueue_dma source(%dma_start3A_76 : memref<52x256xi32, #tpu.memory_space<hbm>>) target(%arg8 : memref<52x256xi32, #tpu.memory_space<vmem>>) target_semaphore(%run_scoped3A : memref<!tpu.dma_semaphore, #tpu.memory_space<semaphore_mem>>)
      %dma_wait3A_77 = arith.constant 0 : i32
      %dma_wait3A_78 = tpu.memref_slice %arg4[%mul3A_4, %dma_wait3A_77] : memref<1664x256xi32, #tpu.memory_space<hbm>> -> memref<52x256xi32, #tpu.memory_space<hbm>>
      %dma_wait3A_79 = arith.constant 0 : i32
      %dma_wait3A_80 = tpu.memref_slice %arg4[%mul3A_4, %dma_wait3A_79] : memref<1664x256xi32, #tpu.memory_space<hbm>> -> memref<52x256xi32, #tpu.memory_space<hbm>>
      tpu.wait_dma2 semaphore(%run_scoped3A : memref<!tpu.dma_semaphore, #tpu.memory_space<semaphore_mem>>) src(%dma_wait3A_80 : memref<52x256xi32, #tpu.memory_space<hbm>>) dst(%arg8 : memref<52x256xi32, #tpu.memory_space<vmem>>)
      tpu.yield
    }) : () -> ()
    %mul3A_5 = arith.constant 640 : i32
    %mul3A_6 = arith.muli %arg1, %mul3A_5 : i32
    "tpu.region"() ({
      %run_scoped3A = tpu.sem_alloc : memref<!tpu.dma_semaphore, #tpu.memory_space<semaphore_mem>>
      %dma_start3A_73 = arith.constant 0 : i32
      %dma_start3A_74 = tpu.memref_slice %arg10[%mul3A_6, %dma_start3A_73] : memref<10240x32xbf16, #tpu.memory_space<vmem_shared>> -> memref<640x32xbf16, #tpu.memory_space<vmem_shared>>
      tpu.enqueue_dma source(%arg5 : memref<640x32xbf16, #tpu.memory_space<hbm>>) target(%dma_start3A_74 : memref<640x32xbf16, #tpu.memory_space<vmem_shared>>) target_semaphore(%run_scoped3A : memref<!tpu.dma_semaphore, #tpu.memory_space<semaphore_mem>>)
      %dma_wait3A_75 = arith.constant 0 : i32
      %dma_wait3A_76 = tpu.memref_slice %arg10[%mul3A_6, %dma_wait3A_75] : memref<10240x32xbf16, #tpu.memory_space<vmem_shared>> -> memref<640x32xbf16, #tpu.memory_space<vmem_shared>>
      tpu.wait_dma2 semaphore(%run_scoped3A : memref<!tpu.dma_semaphore, #tpu.memory_space<semaphore_mem>>) src(%arg5 : memref<640x32xbf16, #tpu.memory_space<hbm>>) dst(%dma_wait3A_76 : memref<640x32xbf16, #tpu.memory_space<vmem_shared>>)
      tpu.yield
    }) : () -> ()
    %barrier3A = arith.constant 0 : index
    tpu.barrier barrier_id(%barrier3A)
    %dma_start3A = arith.constant 0 : i32
    %dma_start3A_7 = arith.constant 0 : i32
    %dma_start3A_8 = arith.constant 0 : i32
    %dma_start3A_9 = arith.constant 0 : i32
    %dma_start3A_10 = tpu.memref_slice %arg9[%dma_start3A_7, %dma_start3A_8, %dma_start3A_9] : memref<2x256x32xbf16, #tpu.memory_space<vmem>> -> memref<1x256x32xbf16, #tpu.memory_space<vmem>>
    %dma_start3A_11 = tpu.memref_squeeze %dma_start3A_10 : memref<1x256x32xbf16, #tpu.memory_space<vmem>> -> memref<256x32xbf16, #tpu.memory_space<vmem>>
    %dma_start3A_12 = arith.constant 0 : i32
    %dma_start3A_13 = tpu.memref_slice %arg7[%dma_start3A, %dma_start3A_12] : memref<52x256xi32, #tpu.memory_space<vmem>> -> memref<1x256xi32, #tpu.memory_space<vmem>>
    %dma_start3A_14 = tpu.memref_squeeze %dma_start3A_13 : memref<1x256xi32, #tpu.memory_space<vmem>> -> memref<256xi32, #tpu.memory_space<vmem>>
    %dma_start3A_15 = arith.constant 0 : i32
    %dma_start3A_16 = arith.constant 0 : i32
    %dma_start3A_17 = tpu.memref_slice %arg2[%dma_start3A_15, %dma_start3A_16] : memref<10000x32xbf16, #tpu.memory_space<hbm>> -> memref<10000x32xbf16, #tpu.memory_space<hbm>>
    tpu.enqueue_indirect_dma source(%dma_start3A_17 : memref<10000x32xbf16, #tpu.memory_space<hbm>>) target(%dma_start3A_11 : memref<256x32xbf16, #tpu.memory_space<vmem>>) offsets(%dma_start3A_14 : memref<256xi32, #tpu.memory_space<vmem>>) semaphore(%arg11 : memref<!tpu.dma_semaphore, #tpu.memory_space<semaphore_mem>>)
    %jit3A_18 = arith.constant 2 : i32
    %div3A = arith.divsi %select_n3A, %jit3A_18 : i32
    %sign3A = arith.constant 0 : i32
    %sign3A_19 = arith.cmpi sgt, %select_n3A, %sign3A : i32
    %sign3A_20 = arith.extui %sign3A_19 : i1 to i32
    %sign3A_21 = arith.constant 0 : i32
    %sign3A_22 = arith.cmpi slt, %select_n3A, %sign3A_21 : i32
    %sign3A_23 = arith.extui %sign3A_22 : i1 to i32
    %sign3A_24 = arith.subi %sign3A_20, %sign3A_23 : i32
    %sign3A_25 = arith.constant 0 : i32
    %sign3A_26 = arith.cmpi sgt, %jit3A_18, %sign3A_25 : i32
    %sign3A_27 = arith.extui %sign3A_26 : i1 to i32
    %sign3A_28 = arith.constant 0 : i32
    %sign3A_29 = arith.cmpi slt, %jit3A_18, %sign3A_28 : i32
    %sign3A_30 = arith.extui %sign3A_29 : i1 to i32
    %sign3A_31 = arith.subi %sign3A_27, %sign3A_30 : i32
    %ne3A = arith.cmpi ne, %sign3A_24, %sign3A_31 : i32
    %rem3A = arith.remsi %select_n3A, %jit3A_18 : i32
    %ne3A_32 = arith.constant 0 : i32
    %ne3A_33 = arith.cmpi ne, %rem3A, %ne3A_32 : i32
    %and3A = arith.andi %ne3A, %ne3A_33 : i1
    %sub3A = arith.constant 1 : i32
    %sub3A_34 = arith.subi %div3A, %sub3A : i32
    %select_n3A_35 = arith.select %and3A, %sub3A_34, %div3A : i32
    %while3A = arith.constant 0 : i32
    %while3A_36 = arith.constant 0 : i32
    %while3A_37 = arith.subi %select_n3A_35, %while3A_36 : i32
    %while3A_38 = arith.addi %while3A_36, %while3A_37 : i32
    %while3A_39 = arith.constant 1 : i32
    %while3A_40 = arith.divsi %while3A_37, %while3A_39 : i32
    %while3A_41 = arith.muli %while3A_40, %while3A_39 : i32
    %while3A_42 = arith.addi %while3A_36, %while3A_41 : i32
    %while3A_43 = arith.constant 1 : i32
    scf.for %while3A_73 = %while3A_36 to %while3A_42 step %while3A_43  : i32 {
      %mul3A_74 = arith.constant 2 : i32
      %mul3A_75 = arith.muli %while3A_73, %mul3A_74 : i32
      %add3A_76 = arith.constant 0 : i32
      %add3A_77 = arith.addi %mul3A_75, %add3A_76 : i32
      %dma_wait3A_78 = arith.constant 0 : i32
      %dma_wait3A_79 = arith.constant 0 : i32
      %dma_wait3A_80 = arith.constant 0 : i32
      %dma_wait3A_81 = tpu.memref_slice %arg9[%dma_wait3A_78, %dma_wait3A_79, %dma_wait3A_80] : memref<2x256x32xbf16, #tpu.memory_space<vmem>> -> memref<1x256x32xbf16, #tpu.memory_space<vmem>>
      %dma_wait3A_82 = tpu.memref_squeeze %dma_wait3A_81 : memref<1x256x32xbf16, #tpu.memory_space<vmem>> -> memref<256x32xbf16, #tpu.memory_space<vmem>>
      %dma_wait3A_83 = arith.constant 0 : i32
      %dma_wait3A_84 = tpu.memref_slice %arg7[%add3A_77, %dma_wait3A_83] : memref<52x256xi32, #tpu.memory_space<vmem>> -> memref<1x256xi32, #tpu.memory_space<vmem>>
      %dma_wait3A_85 = tpu.memref_squeeze %dma_wait3A_84 : memref<1x256xi32, #tpu.memory_space<vmem>> -> memref<256xi32, #tpu.memory_space<vmem>>
      %dma_wait3A_86 = arith.constant 0 : i32
      %dma_wait3A_87 = arith.constant 0 : i32
      %dma_wait3A_88 = tpu.memref_slice %arg2[%dma_wait3A_86, %dma_wait3A_87] : memref<10000x32xbf16, #tpu.memory_space<hbm>> -> memref<10000x32xbf16, #tpu.memory_space<hbm>>
      tpu.wait_indirect_dma semaphore(%arg11 : memref<!tpu.dma_semaphore, #tpu.memory_space<semaphore_mem>>) src(%dma_wait3A_88 : memref<10000x32xbf16, #tpu.memory_space<hbm>>) dst(%dma_wait3A_82 : memref<256x32xbf16, #tpu.memory_space<vmem>>)
      %dma_start3A_89 = arith.constant 0 : i32
      %dma_start3A_90 = arith.constant 0 : i32
      %dma_start3A_91 = arith.constant 0 : i32
      %dma_start3A_92 = tpu.memref_slice %arg9[%dma_start3A_89, %dma_start3A_90, %dma_start3A_91] : memref<2x256x32xbf16, #tpu.memory_space<vmem>> -> memref<1x256x32xbf16, #tpu.memory_space<vmem>>
      %dma_start3A_93 = tpu.memref_squeeze %dma_start3A_92 : memref<1x256x32xbf16, #tpu.memory_space<vmem>> -> memref<256x32xbf16, #tpu.memory_space<vmem>>
      %dma_start3A_94 = arith.constant 0 : i32
      %dma_start3A_95 = tpu.memref_slice %arg8[%add3A_77, %dma_start3A_94] : memref<52x256xi32, #tpu.memory_space<vmem>> -> memref<1x256xi32, #tpu.memory_space<vmem>>
      %dma_start3A_96 = tpu.memref_squeeze %dma_start3A_95 : memref<1x256xi32, #tpu.memory_space<vmem>> -> memref<256xi32, #tpu.memory_space<vmem>>
      %dma_start3A_97 = arith.constant 0 : i32
      %dma_start3A_98 = arith.constant 0 : i32
      %dma_start3A_99 = tpu.memref_slice %arg10[%dma_start3A_97, %dma_start3A_98] : memref<10240x32xbf16, #tpu.memory_space<vmem_shared>> -> memref<10240x32xbf16, #tpu.memory_space<vmem_shared>>
      tpu.enqueue_indirect_dma source(%dma_start3A_93 : memref<256x32xbf16, #tpu.memory_space<vmem>>) target(%dma_start3A_99 : memref<10240x32xbf16, #tpu.memory_space<vmem_shared>>) offsets(%dma_start3A_96 : memref<256xi32, #tpu.memory_space<vmem>>) semaphore(%arg13 : memref<!tpu.dma_semaphore, #tpu.memory_space<semaphore_mem>>) {add = true}
      %add3A_100 = arith.constant 2 : i32
      %add3A_101 = arith.addi %add3A_77, %add3A_100 : i32
      %sub3A_102 = arith.constant 1 : i32
      %sub3A_103 = arith.subi %add3A_101, %sub3A_102 : i32
      %lt3A = arith.cmpi slt, %sub3A_103, %select_n3A : i32
      %convert_element_type3A = arith.extui %lt3A : i1 to i32
      %cond3A = arith.constant 0 : i32
      %cond3A_104 = arith.cmpi ne, %convert_element_type3A, %cond3A : i32
      scf.if %cond3A_104 {
        %gt3A = arith.constant 0 : i32
        %gt3A_139 = arith.cmpi sgt, %add3A_77, %gt3A : i32
        %convert_element_type3A_140 = arith.extui %gt3A_139 : i1 to i32
        %cond3A_141 = arith.constant 0 : i32
        %cond3A_142 = arith.cmpi ne, %convert_element_type3A_140, %cond3A_141 : i32
        scf.if %cond3A_142 {
          %dma_wait3A_154 = arith.constant 1 : i32
          %dma_wait3A_155 = arith.constant 0 : i32
          %dma_wait3A_156 = arith.constant 0 : i32
          %dma_wait3A_157 = tpu.memref_slice %arg9[%dma_wait3A_154, %dma_wait3A_155, %dma_wait3A_156] : memref<2x256x32xbf16, #tpu.memory_space<vmem>> -> memref<1x256x32xbf16, #tpu.memory_space<vmem>>
          %dma_wait3A_158 = tpu.memref_squeeze %dma_wait3A_157 : memref<1x256x32xbf16, #tpu.memory_space<vmem>> -> memref<256x32xbf16, #tpu.memory_space<vmem>>
          %dma_wait3A_159 = arith.constant 0 : i32
          %dma_wait3A_160 = tpu.memref_slice %arg8[%add3A_77, %dma_wait3A_159] : memref<52x256xi32, #tpu.memory_space<vmem>> -> memref<1x256xi32, #tpu.memory_space<vmem>>
          %dma_wait3A_161 = tpu.memref_squeeze %dma_wait3A_160 : memref<1x256xi32, #tpu.memory_space<vmem>> -> memref<256xi32, #tpu.memory_space<vmem>>
          %dma_wait3A_162 = arith.constant 0 : i32
          %dma_wait3A_163 = arith.constant 0 : i32
          %dma_wait3A_164 = tpu.memref_slice %arg10[%dma_wait3A_162, %dma_wait3A_163] : memref<10240x32xbf16, #tpu.memory_space<vmem_shared>> -> memref<10240x32xbf16, #tpu.memory_space<vmem_shared>>
          tpu.wait_indirect_dma semaphore(%arg14 : memref<!tpu.dma_semaphore, #tpu.memory_space<semaphore_mem>>) src(%dma_wait3A_158 : memref<256x32xbf16, #tpu.memory_space<vmem>>) dst(%dma_wait3A_164 : memref<10240x32xbf16, #tpu.memory_space<vmem_shared>>)
        } else {
        }
        %dma_start3A_143 = arith.constant 1 : i32
        %dma_start3A_144 = arith.constant 0 : i32
        %dma_start3A_145 = arith.constant 0 : i32
        %dma_start3A_146 = tpu.memref_slice %arg9[%dma_start3A_143, %dma_start3A_144, %dma_start3A_145] : memref<2x256x32xbf16, #tpu.memory_space<vmem>> -> memref<1x256x32xbf16, #tpu.memory_space<vmem>>
        %dma_start3A_147 = tpu.memref_squeeze %dma_start3A_146 : memref<1x256x32xbf16, #tpu.memory_space<vmem>> -> memref<256x32xbf16, #tpu.memory_space<vmem>>
        %dma_start3A_148 = arith.constant 0 : i32
        %dma_start3A_149 = tpu.memref_slice %arg7[%sub3A_103, %dma_start3A_148] : memref<52x256xi32, #tpu.memory_space<vmem>> -> memref<1x256xi32, #tpu.memory_space<vmem>>
        %dma_start3A_150 = tpu.memref_squeeze %dma_start3A_149 : memref<1x256xi32, #tpu.memory_space<vmem>> -> memref<256xi32, #tpu.memory_space<vmem>>
        %dma_start3A_151 = arith.constant 0 : i32
        %dma_start3A_152 = arith.constant 0 : i32
        %dma_start3A_153 = tpu.memref_slice %arg2[%dma_start3A_151, %dma_start3A_152] : memref<10000x32xbf16, #tpu.memory_space<hbm>> -> memref<10000x32xbf16, #tpu.memory_space<hbm>>
        tpu.enqueue_indirect_dma source(%dma_start3A_153 : memref<10000x32xbf16, #tpu.memory_space<hbm>>) target(%dma_start3A_147 : memref<256x32xbf16, #tpu.memory_space<vmem>>) offsets(%dma_start3A_150 : memref<256xi32, #tpu.memory_space<vmem>>) semaphore(%arg12 : memref<!tpu.dma_semaphore, #tpu.memory_space<semaphore_mem>>)
      } else {
      }
      %mul3A_105 = arith.constant 2 : i32
      %mul3A_106 = arith.muli %while3A_73, %mul3A_105 : i32
      %add3A_107 = arith.constant 1 : i32
      %add3A_108 = arith.addi %mul3A_106, %add3A_107 : i32
      %dma_wait3A_109 = arith.constant 1 : i32
      %dma_wait3A_110 = arith.constant 0 : i32
      %dma_wait3A_111 = arith.constant 0 : i32
      %dma_wait3A_112 = tpu.memref_slice %arg9[%dma_wait3A_109, %dma_wait3A_110, %dma_wait3A_111] : memref<2x256x32xbf16, #tpu.memory_space<vmem>> -> memref<1x256x32xbf16, #tpu.memory_space<vmem>>
      %dma_wait3A_113 = tpu.memref_squeeze %dma_wait3A_112 : memref<1x256x32xbf16, #tpu.memory_space<vmem>> -> memref<256x32xbf16, #tpu.memory_space<vmem>>
      %dma_wait3A_114 = arith.constant 0 : i32
      %dma_wait3A_115 = tpu.memref_slice %arg7[%add3A_108, %dma_wait3A_114] : memref<52x256xi32, #tpu.memory_space<vmem>> -> memref<1x256xi32, #tpu.memory_space<vmem>>
      %dma_wait3A_116 = tpu.memref_squeeze %dma_wait3A_115 : memref<1x256xi32, #tpu.memory_space<vmem>> -> memref<256xi32, #tpu.memory_space<vmem>>
      %dma_wait3A_117 = arith.constant 0 : i32
      %dma_wait3A_118 = arith.constant 0 : i32
      %dma_wait3A_119 = tpu.memref_slice %arg2[%dma_wait3A_117, %dma_wait3A_118] : memref<10000x32xbf16, #tpu.memory_space<hbm>> -> memref<10000x32xbf16, #tpu.memory_space<hbm>>
      tpu.wait_indirect_dma semaphore(%arg12 : memref<!tpu.dma_semaphore, #tpu.memory_space<semaphore_mem>>) src(%dma_wait3A_119 : memref<10000x32xbf16, #tpu.memory_space<hbm>>) dst(%dma_wait3A_113 : memref<256x32xbf16, #tpu.memory_space<vmem>>)
      %dma_start3A_120 = arith.constant 1 : i32
      %dma_start3A_121 = arith.constant 0 : i32
      %dma_start3A_122 = arith.constant 0 : i32
      %dma_start3A_123 = tpu.memref_slice %arg9[%dma_start3A_120, %dma_start3A_121, %dma_start3A_122] : memref<2x256x32xbf16, #tpu.memory_space<vmem>> -> memref<1x256x32xbf16, #tpu.memory_space<vmem>>
      %dma_start3A_124 = tpu.memref_squeeze %dma_start3A_123 : memref<1x256x32xbf16, #tpu.memory_space<vmem>> -> memref<256x32xbf16, #tpu.memory_space<vmem>>
      %dma_start3A_125 = arith.constant 0 : i32
      %dma_start3A_126 = tpu.memref_slice %arg8[%add3A_108, %dma_start3A_125] : memref<52x256xi32, #tpu.memory_space<vmem>> -> memref<1x256xi32, #tpu.memory_space<vmem>>
      %dma_start3A_127 = tpu.memref_squeeze %dma_start3A_126 : memref<1x256xi32, #tpu.memory_space<vmem>> -> memref<256xi32, #tpu.memory_space<vmem>>
      %dma_start3A_128 = arith.constant 0 : i32
      %dma_start3A_129 = arith.constant 0 : i32
      %dma_start3A_130 = tpu.memref_slice %arg10[%dma_start3A_128, %dma_start3A_129] : memref<10240x32xbf16, #tpu.memory_space<vmem_shared>> -> memref<10240x32xbf16, #tpu.memory_space<vmem_shared>>
      tpu.enqueue_indirect_dma source(%dma_start3A_124 : memref<256x32xbf16, #tpu.memory_space<vmem>>) target(%dma_start3A_130 : memref<10240x32xbf16, #tpu.memory_space<vmem_shared>>) offsets(%dma_start3A_127 : memref<256xi32, #tpu.memory_space<vmem>>) semaphore(%arg14 : memref<!tpu.dma_semaphore, #tpu.memory_space<semaphore_mem>>) {add = true}
      %add3A_131 = arith.constant 2 : i32
      %add3A_132 = arith.addi %add3A_108, %add3A_131 : i32
      %sub3A_133 = arith.constant 1 : i32
      %sub3A_134 = arith.subi %add3A_132, %sub3A_133 : i32
      %lt3A_135 = arith.cmpi slt, %sub3A_134, %select_n3A : i32
      %convert_element_type3A_136 = arith.extui %lt3A_135 : i1 to i32
      %cond3A_137 = arith.constant 0 : i32
      %cond3A_138 = arith.cmpi ne, %convert_element_type3A_136, %cond3A_137 : i32
      scf.if %cond3A_138 {
        %gt3A = arith.constant 0 : i32
        %gt3A_139 = arith.cmpi sgt, %add3A_108, %gt3A : i32
        %convert_element_type3A_140 = arith.extui %gt3A_139 : i1 to i32
        %cond3A_141 = arith.constant 0 : i32
        %cond3A_142 = arith.cmpi ne, %convert_element_type3A_140, %cond3A_141 : i32
        scf.if %cond3A_142 {
          %dma_wait3A_154 = arith.constant 0 : i32
          %dma_wait3A_155 = arith.constant 0 : i32
          %dma_wait3A_156 = arith.constant 0 : i32
          %dma_wait3A_157 = tpu.memref_slice %arg9[%dma_wait3A_154, %dma_wait3A_155, %dma_wait3A_156] : memref<2x256x32xbf16, #tpu.memory_space<vmem>> -> memref<1x256x32xbf16, #tpu.memory_space<vmem>>
          %dma_wait3A_158 = tpu.memref_squeeze %dma_wait3A_157 : memref<1x256x32xbf16, #tpu.memory_space<vmem>> -> memref<256x32xbf16, #tpu.memory_space<vmem>>
          %dma_wait3A_159 = arith.constant 0 : i32
          %dma_wait3A_160 = tpu.memref_slice %arg8[%add3A_108, %dma_wait3A_159] : memref<52x256xi32, #tpu.memory_space<vmem>> -> memref<1x256xi32, #tpu.memory_space<vmem>>
          %dma_wait3A_161 = tpu.memref_squeeze %dma_wait3A_160 : memref<1x256xi32, #tpu.memory_space<vmem>> -> memref<256xi32, #tpu.memory_space<vmem>>
          %dma_wait3A_162 = arith.constant 0 : i32
          %dma_wait3A_163 = arith.constant 0 : i32
          %dma_wait3A_164 = tpu.memref_slice %arg10[%dma_wait3A_162, %dma_wait3A_163] : memref<10240x32xbf16, #tpu.memory_space<vmem_shared>> -> memref<10240x32xbf16, #tpu.memory_space<vmem_shared>>
          tpu.wait_indirect_dma semaphore(%arg13 : memref<!tpu.dma_semaphore, #tpu.memory_space<semaphore_mem>>) src(%dma_wait3A_158 : memref<256x32xbf16, #tpu.memory_space<vmem>>) dst(%dma_wait3A_164 : memref<10240x32xbf16, #tpu.memory_space<vmem_shared>>)
        } else {
        }
        %dma_start3A_143 = arith.constant 0 : i32
        %dma_start3A_144 = arith.constant 0 : i32
        %dma_start3A_145 = arith.constant 0 : i32
        %dma_start3A_146 = tpu.memref_slice %arg9[%dma_start3A_143, %dma_start3A_144, %dma_start3A_145] : memref<2x256x32xbf16, #tpu.memory_space<vmem>> -> memref<1x256x32xbf16, #tpu.memory_space<vmem>>
        %dma_start3A_147 = tpu.memref_squeeze %dma_start3A_146 : memref<1x256x32xbf16, #tpu.memory_space<vmem>> -> memref<256x32xbf16, #tpu.memory_space<vmem>>
        %dma_start3A_148 = arith.constant 0 : i32
        %dma_start3A_149 = tpu.memref_slice %arg7[%sub3A_134, %dma_start3A_148] : memref<52x256xi32, #tpu.memory_space<vmem>> -> memref<1x256xi32, #tpu.memory_space<vmem>>
        %dma_start3A_150 = tpu.memref_squeeze %dma_start3A_149 : memref<1x256xi32, #tpu.memory_space<vmem>> -> memref<256xi32, #tpu.memory_space<vmem>>
        %dma_start3A_151 = arith.constant 0 : i32
        %dma_start3A_152 = arith.constant 0 : i32
        %dma_start3A_153 = tpu.memref_slice %arg2[%dma_start3A_151, %dma_start3A_152] : memref<10000x32xbf16, #tpu.memory_space<hbm>> -> memref<10000x32xbf16, #tpu.memory_space<hbm>>
        tpu.enqueue_indirect_dma source(%dma_start3A_153 : memref<10000x32xbf16, #tpu.memory_space<hbm>>) target(%dma_start3A_147 : memref<256x32xbf16, #tpu.memory_space<vmem>>) offsets(%dma_start3A_150 : memref<256xi32, #tpu.memory_space<vmem>>) semaphore(%arg11 : memref<!tpu.dma_semaphore, #tpu.memory_space<semaphore_mem>>)
      } else {
      }
    }
    %while3A_44 = arith.constant 1 : i32
    scf.for %while3A_73 = %while3A_42 to %while3A_38 step %while3A_44  : i32 {
      %mul3A_74 = arith.constant 2 : i32
      %mul3A_75 = arith.muli %while3A_73, %mul3A_74 : i32
      %add3A_76 = arith.constant 0 : i32
      %add3A_77 = arith.addi %mul3A_75, %add3A_76 : i32
      %dma_wait3A_78 = arith.constant 0 : i32
      %dma_wait3A_79 = arith.constant 0 : i32
      %dma_wait3A_80 = arith.constant 0 : i32
      %dma_wait3A_81 = tpu.memref_slice %arg9[%dma_wait3A_78, %dma_wait3A_79, %dma_wait3A_80] : memref<2x256x32xbf16, #tpu.memory_space<vmem>> -> memref<1x256x32xbf16, #tpu.memory_space<vmem>>
      %dma_wait3A_82 = tpu.memref_squeeze %dma_wait3A_81 : memref<1x256x32xbf16, #tpu.memory_space<vmem>> -> memref<256x32xbf16, #tpu.memory_space<vmem>>
      %dma_wait3A_83 = arith.constant 0 : i32
      %dma_wait3A_84 = tpu.memref_slice %arg7[%add3A_77, %dma_wait3A_83] : memref<52x256xi32, #tpu.memory_space<vmem>> -> memref<1x256xi32, #tpu.memory_space<vmem>>
      %dma_wait3A_85 = tpu.memref_squeeze %dma_wait3A_84 : memref<1x256xi32, #tpu.memory_space<vmem>> -> memref<256xi32, #tpu.memory_space<vmem>>
      %dma_wait3A_86 = arith.constant 0 : i32
      %dma_wait3A_87 = arith.constant 0 : i32
      %dma_wait3A_88 = tpu.memref_slice %arg2[%dma_wait3A_86, %dma_wait3A_87] : memref<10000x32xbf16, #tpu.memory_space<hbm>> -> memref<10000x32xbf16, #tpu.memory_space<hbm>>
      tpu.wait_indirect_dma semaphore(%arg11 : memref<!tpu.dma_semaphore, #tpu.memory_space<semaphore_mem>>) src(%dma_wait3A_88 : memref<10000x32xbf16, #tpu.memory_space<hbm>>) dst(%dma_wait3A_82 : memref<256x32xbf16, #tpu.memory_space<vmem>>)
      %dma_start3A_89 = arith.constant 0 : i32
      %dma_start3A_90 = arith.constant 0 : i32
      %dma_start3A_91 = arith.constant 0 : i32
      %dma_start3A_92 = tpu.memref_slice %arg9[%dma_start3A_89, %dma_start3A_90, %dma_start3A_91] : memref<2x256x32xbf16, #tpu.memory_space<vmem>> -> memref<1x256x32xbf16, #tpu.memory_space<vmem>>
      %dma_start3A_93 = tpu.memref_squeeze %dma_start3A_92 : memref<1x256x32xbf16, #tpu.memory_space<vmem>> -> memref<256x32xbf16, #tpu.memory_space<vmem>>
      %dma_start3A_94 = arith.constant 0 : i32
      %dma_start3A_95 = tpu.memref_slice %arg8[%add3A_77, %dma_start3A_94] : memref<52x256xi32, #tpu.memory_space<vmem>> -> memref<1x256xi32, #tpu.memory_space<vmem>>
      %dma_start3A_96 = tpu.memref_squeeze %dma_start3A_95 : memref<1x256xi32, #tpu.memory_space<vmem>> -> memref<256xi32, #tpu.memory_space<vmem>>
      %dma_start3A_97 = arith.constant 0 : i32
      %dma_start3A_98 = arith.constant 0 : i32
      %dma_start3A_99 = tpu.memref_slice %arg10[%dma_start3A_97, %dma_start3A_98] : memref<10240x32xbf16, #tpu.memory_space<vmem_shared>> -> memref<10240x32xbf16, #tpu.memory_space<vmem_shared>>
      tpu.enqueue_indirect_dma source(%dma_start3A_93 : memref<256x32xbf16, #tpu.memory_space<vmem>>) target(%dma_start3A_99 : memref<10240x32xbf16, #tpu.memory_space<vmem_shared>>) offsets(%dma_start3A_96 : memref<256xi32, #tpu.memory_space<vmem>>) semaphore(%arg13 : memref<!tpu.dma_semaphore, #tpu.memory_space<semaphore_mem>>) {add = true}
      %add3A_100 = arith.constant 2 : i32
      %add3A_101 = arith.addi %add3A_77, %add3A_100 : i32
      %sub3A_102 = arith.constant 1 : i32
      %sub3A_103 = arith.subi %add3A_101, %sub3A_102 : i32
      %lt3A = arith.cmpi slt, %sub3A_103, %select_n3A : i32
      %convert_element_type3A = arith.extui %lt3A : i1 to i32
      %cond3A = arith.constant 0 : i32
      %cond3A_104 = arith.cmpi ne, %convert_element_type3A, %cond3A : i32
      scf.if %cond3A_104 {
        %gt3A = arith.constant 0 : i32
        %gt3A_139 = arith.cmpi sgt, %add3A_77, %gt3A : i32
        %convert_element_type3A_140 = arith.extui %gt3A_139 : i1 to i32
        %cond3A_141 = arith.constant 0 : i32
        %cond3A_142 = arith.cmpi ne, %convert_element_type3A_140, %cond3A_141 : i32
        scf.if %cond3A_142 {
          %dma_wait3A_154 = arith.constant 1 : i32
          %dma_wait3A_155 = arith.constant 0 : i32
          %dma_wait3A_156 = arith.constant 0 : i32
          %dma_wait3A_157 = tpu.memref_slice %arg9[%dma_wait3A_154, %dma_wait3A_155, %dma_wait3A_156] : memref<2x256x32xbf16, #tpu.memory_space<vmem>> -> memref<1x256x32xbf16, #tpu.memory_space<vmem>>
          %dma_wait3A_158 = tpu.memref_squeeze %dma_wait3A_157 : memref<1x256x32xbf16, #tpu.memory_space<vmem>> -> memref<256x32xbf16, #tpu.memory_space<vmem>>
          %dma_wait3A_159 = arith.constant 0 : i32
          %dma_wait3A_160 = tpu.memref_slice %arg8[%add3A_77, %dma_wait3A_159] : memref<52x256xi32, #tpu.memory_space<vmem>> -> memref<1x256xi32, #tpu.memory_space<vmem>>
          %dma_wait3A_161 = tpu.memref_squeeze %dma_wait3A_160 : memref<1x256xi32, #tpu.memory_space<vmem>> -> memref<256xi32, #tpu.memory_space<vmem>>
          %dma_wait3A_162 = arith.constant 0 : i32
          %dma_wait3A_163 = arith.constant 0 : i32
          %dma_wait3A_164 = tpu.memref_slice %arg10[%dma_wait3A_162, %dma_wait3A_163] : memref<10240x32xbf16, #tpu.memory_space<vmem_shared>> -> memref<10240x32xbf16, #tpu.memory_space<vmem_shared>>
          tpu.wait_indirect_dma semaphore(%arg14 : memref<!tpu.dma_semaphore, #tpu.memory_space<semaphore_mem>>) src(%dma_wait3A_158 : memref<256x32xbf16, #tpu.memory_space<vmem>>) dst(%dma_wait3A_164 : memref<10240x32xbf16, #tpu.memory_space<vmem_shared>>)
        } else {
        }
        %dma_start3A_143 = arith.constant 1 : i32
        %dma_start3A_144 = arith.constant 0 : i32
        %dma_start3A_145 = arith.constant 0 : i32
        %dma_start3A_146 = tpu.memref_slice %arg9[%dma_start3A_143, %dma_start3A_144, %dma_start3A_145] : memref<2x256x32xbf16, #tpu.memory_space<vmem>> -> memref<1x256x32xbf16, #tpu.memory_space<vmem>>
        %dma_start3A_147 = tpu.memref_squeeze %dma_start3A_146 : memref<1x256x32xbf16, #tpu.memory_space<vmem>> -> memref<256x32xbf16, #tpu.memory_space<vmem>>
        %dma_start3A_148 = arith.constant 0 : i32
        %dma_start3A_149 = tpu.memref_slice %arg7[%sub3A_103, %dma_start3A_148] : memref<52x256xi32, #tpu.memory_space<vmem>> -> memref<1x256xi32, #tpu.memory_space<vmem>>
        %dma_start3A_150 = tpu.memref_squeeze %dma_start3A_149 : memref<1x256xi32, #tpu.memory_space<vmem>> -> memref<256xi32, #tpu.memory_space<vmem>>
        %dma_start3A_151 = arith.constant 0 : i32
        %dma_start3A_152 = arith.constant 0 : i32
        %dma_start3A_153 = tpu.memref_slice %arg2[%dma_start3A_151, %dma_start3A_152] : memref<10000x32xbf16, #tpu.memory_space<hbm>> -> memref<10000x32xbf16, #tpu.memory_space<hbm>>
        tpu.enqueue_indirect_dma source(%dma_start3A_153 : memref<10000x32xbf16, #tpu.memory_space<hbm>>) target(%dma_start3A_147 : memref<256x32xbf16, #tpu.memory_space<vmem>>) offsets(%dma_start3A_150 : memref<256xi32, #tpu.memory_space<vmem>>) semaphore(%arg12 : memref<!tpu.dma_semaphore, #tpu.memory_space<semaphore_mem>>)
      } else {
      }
      %mul3A_105 = arith.constant 2 : i32
      %mul3A_106 = arith.muli %while3A_73, %mul3A_105 : i32
      %add3A_107 = arith.constant 1 : i32
      %add3A_108 = arith.addi %mul3A_106, %add3A_107 : i32
      %dma_wait3A_109 = arith.constant 1 : i32
      %dma_wait3A_110 = arith.constant 0 : i32
      %dma_wait3A_111 = arith.constant 0 : i32
      %dma_wait3A_112 = tpu.memref_slice %arg9[%dma_wait3A_109, %dma_wait3A_110, %dma_wait3A_111] : memref<2x256x32xbf16, #tpu.memory_space<vmem>> -> memref<1x256x32xbf16, #tpu.memory_space<vmem>>
      %dma_wait3A_113 = tpu.memref_squeeze %dma_wait3A_112 : memref<1x256x32xbf16, #tpu.memory_space<vmem>> -> memref<256x32xbf16, #tpu.memory_space<vmem>>
      %dma_wait3A_114 = arith.constant 0 : i32
      %dma_wait3A_115 = tpu.memref_slice %arg7[%add3A_108, %dma_wait3A_114] : memref<52x256xi32, #tpu.memory_space<vmem>> -> memref<1x256xi32, #tpu.memory_space<vmem>>
      %dma_wait3A_116 = tpu.memref_squeeze %dma_wait3A_115 : memref<1x256xi32, #tpu.memory_space<vmem>> -> memref<256xi32, #tpu.memory_space<vmem>>
      %dma_wait3A_117 = arith.constant 0 : i32
      %dma_wait3A_118 = arith.constant 0 : i32
      %dma_wait3A_119 = tpu.memref_slice %arg2[%dma_wait3A_117, %dma_wait3A_118] : memref<10000x32xbf16, #tpu.memory_space<hbm>> -> memref<10000x32xbf16, #tpu.memory_space<hbm>>
      tpu.wait_indirect_dma semaphore(%arg12 : memref<!tpu.dma_semaphore, #tpu.memory_space<semaphore_mem>>) src(%dma_wait3A_119 : memref<10000x32xbf16, #tpu.memory_space<hbm>>) dst(%dma_wait3A_113 : memref<256x32xbf16, #tpu.memory_space<vmem>>)
      %dma_start3A_120 = arith.constant 1 : i32
      %dma_start3A_121 = arith.constant 0 : i32
      %dma_start3A_122 = arith.constant 0 : i32
      %dma_start3A_123 = tpu.memref_slice %arg9[%dma_start3A_120, %dma_start3A_121, %dma_start3A_122] : memref<2x256x32xbf16, #tpu.memory_space<vmem>> -> memref<1x256x32xbf16, #tpu.memory_space<vmem>>
      %dma_start3A_124 = tpu.memref_squeeze %dma_start3A_123 : memref<1x256x32xbf16, #tpu.memory_space<vmem>> -> memref<256x32xbf16, #tpu.memory_space<vmem>>
      %dma_start3A_125 = arith.constant 0 : i32
      %dma_start3A_126 = tpu.memref_slice %arg8[%add3A_108, %dma_start3A_125] : memref<52x256xi32, #tpu.memory_space<vmem>> -> memref<1x256xi32, #tpu.memory_space<vmem>>
      %dma_start3A_127 = tpu.memref_squeeze %dma_start3A_126 : memref<1x256xi32, #tpu.memory_space<vmem>> -> memref<256xi32, #tpu.memory_space<vmem>>
      %dma_start3A_128 = arith.constant 0 : i32
      %dma_start3A_129 = arith.constant 0 : i32
      %dma_start3A_130 = tpu.memref_slice %arg10[%dma_start3A_128, %dma_start3A_129] : memref<10240x32xbf16, #tpu.memory_space<vmem_shared>> -> memref<10240x32xbf16, #tpu.memory_space<vmem_shared>>
      tpu.enqueue_indirect_dma source(%dma_start3A_124 : memref<256x32xbf16, #tpu.memory_space<vmem>>) target(%dma_start3A_130 : memref<10240x32xbf16, #tpu.memory_space<vmem_shared>>) offsets(%dma_start3A_127 : memref<256xi32, #tpu.memory_space<vmem>>) semaphore(%arg14 : memref<!tpu.dma_semaphore, #tpu.memory_space<semaphore_mem>>) {add = true}
      %add3A_131 = arith.constant 2 : i32
      %add3A_132 = arith.addi %add3A_108, %add3A_131 : i32
      %sub3A_133 = arith.constant 1 : i32
      %sub3A_134 = arith.subi %add3A_132, %sub3A_133 : i32
      %lt3A_135 = arith.cmpi slt, %sub3A_134, %select_n3A : i32
      %convert_element_type3A_136 = arith.extui %lt3A_135 : i1 to i32
      %cond3A_137 = arith.constant 0 : i32
      %cond3A_138 = arith.cmpi ne, %convert_element_type3A_136, %cond3A_137 : i32
      scf.if %cond3A_138 {
        %gt3A = arith.constant 0 : i32
        %gt3A_139 = arith.cmpi sgt, %add3A_108, %gt3A : i32
        %convert_element_type3A_140 = arith.extui %gt3A_139 : i1 to i32
        %cond3A_141 = arith.constant 0 : i32
        %cond3A_142 = arith.cmpi ne, %convert_element_type3A_140, %cond3A_141 : i32
        scf.if %cond3A_142 {
          %dma_wait3A_154 = arith.constant 0 : i32
          %dma_wait3A_155 = arith.constant 0 : i32
          %dma_wait3A_156 = arith.constant 0 : i32
          %dma_wait3A_157 = tpu.memref_slice %arg9[%dma_wait3A_154, %dma_wait3A_155, %dma_wait3A_156] : memref<2x256x32xbf16, #tpu.memory_space<vmem>> -> memref<1x256x32xbf16, #tpu.memory_space<vmem>>
          %dma_wait3A_158 = tpu.memref_squeeze %dma_wait3A_157 : memref<1x256x32xbf16, #tpu.memory_space<vmem>> -> memref<256x32xbf16, #tpu.memory_space<vmem>>
          %dma_wait3A_159 = arith.constant 0 : i32
          %dma_wait3A_160 = tpu.memref_slice %arg8[%add3A_108, %dma_wait3A_159] : memref<52x256xi32, #tpu.memory_space<vmem>> -> memref<1x256xi32, #tpu.memory_space<vmem>>
          %dma_wait3A_161 = tpu.memref_squeeze %dma_wait3A_160 : memref<1x256xi32, #tpu.memory_space<vmem>> -> memref<256xi32, #tpu.memory_space<vmem>>
          %dma_wait3A_162 = arith.constant 0 : i32
          %dma_wait3A_163 = arith.constant 0 : i32
          %dma_wait3A_164 = tpu.memref_slice %arg10[%dma_wait3A_162, %dma_wait3A_163] : memref<10240x32xbf16, #tpu.memory_space<vmem_shared>> -> memref<10240x32xbf16, #tpu.memory_space<vmem_shared>>
          tpu.wait_indirect_dma semaphore(%arg13 : memref<!tpu.dma_semaphore, #tpu.memory_space<semaphore_mem>>) src(%dma_wait3A_158 : memref<256x32xbf16, #tpu.memory_space<vmem>>) dst(%dma_wait3A_164 : memref<10240x32xbf16, #tpu.memory_space<vmem_shared>>)
        } else {
        }
        %dma_start3A_143 = arith.constant 0 : i32
        %dma_start3A_144 = arith.constant 0 : i32
        %dma_start3A_145 = arith.constant 0 : i32
        %dma_start3A_146 = tpu.memref_slice %arg9[%dma_start3A_143, %dma_start3A_144, %dma_start3A_145] : memref<2x256x32xbf16, #tpu.memory_space<vmem>> -> memref<1x256x32xbf16, #tpu.memory_space<vmem>>
        %dma_start3A_147 = tpu.memref_squeeze %dma_start3A_146 : memref<1x256x32xbf16, #tpu.memory_space<vmem>> -> memref<256x32xbf16, #tpu.memory_space<vmem>>
        %dma_start3A_148 = arith.constant 0 : i32
        %dma_start3A_149 = tpu.memref_slice %arg7[%sub3A_134, %dma_start3A_148] : memref<52x256xi32, #tpu.memory_space<vmem>> -> memref<1x256xi32, #tpu.memory_space<vmem>>
        %dma_start3A_150 = tpu.memref_squeeze %dma_start3A_149 : memref<1x256xi32, #tpu.memory_space<vmem>> -> memref<256xi32, #tpu.memory_space<vmem>>
        %dma_start3A_151 = arith.constant 0 : i32
        %dma_start3A_152 = arith.constant 0 : i32
        %dma_start3A_153 = tpu.memref_slice %arg2[%dma_start3A_151, %dma_start3A_152] : memref<10000x32xbf16, #tpu.memory_space<hbm>> -> memref<10000x32xbf16, #tpu.memory_space<hbm>>
        tpu.enqueue_indirect_dma source(%dma_start3A_153 : memref<10000x32xbf16, #tpu.memory_space<hbm>>) target(%dma_start3A_147 : memref<256x32xbf16, #tpu.memory_space<vmem>>) offsets(%dma_start3A_150 : memref<256xi32, #tpu.memory_space<vmem>>) semaphore(%arg11 : memref<!tpu.dma_semaphore, #tpu.memory_space<semaphore_mem>>)
      } else {
      }
    }
    %dma_wait3A = arith.constant 0 : i32
    %dma_wait3A_45 = arith.constant 0 : i32
    %dma_wait3A_46 = arith.constant 0 : i32
    %dma_wait3A_47 = arith.constant 0 : i32
    %dma_wait3A_48 = tpu.memref_slice %arg9[%dma_wait3A, %dma_wait3A_46, %dma_wait3A_47] : memref<2x256x32xbf16, #tpu.memory_space<vmem>> -> memref<1x256x32xbf16, #tpu.memory_space<vmem>>
    %dma_wait3A_49 = tpu.memref_squeeze %dma_wait3A_48 : memref<1x256x32xbf16, #tpu.memory_space<vmem>> -> memref<256x32xbf16, #tpu.memory_space<vmem>>
    %dma_wait3A_50 = arith.constant 0 : i32
    %dma_wait3A_51 = tpu.memref_slice %arg8[%dma_wait3A_45, %dma_wait3A_50] : memref<52x256xi32, #tpu.memory_space<vmem>> -> memref<1x256xi32, #tpu.memory_space<vmem>>
    %dma_wait3A_52 = tpu.memref_squeeze %dma_wait3A_51 : memref<1x256xi32, #tpu.memory_space<vmem>> -> memref<256xi32, #tpu.memory_space<vmem>>
    %dma_wait3A_53 = arith.constant 0 : i32
    %dma_wait3A_54 = arith.constant 0 : i32
    %dma_wait3A_55 = tpu.memref_slice %arg10[%dma_wait3A_53, %dma_wait3A_54] : memref<10240x32xbf16, #tpu.memory_space<vmem_shared>> -> memref<10240x32xbf16, #tpu.memory_space<vmem_shared>>
    tpu.wait_indirect_dma semaphore(%arg13 : memref<!tpu.dma_semaphore, #tpu.memory_space<semaphore_mem>>) src(%dma_wait3A_49 : memref<256x32xbf16, #tpu.memory_space<vmem>>) dst(%dma_wait3A_55 : memref<10240x32xbf16, #tpu.memory_space<vmem_shared>>)
    %dma_wait3A_56 = arith.constant 1 : i32
    %dma_wait3A_57 = arith.constant 1 : i32
    %dma_wait3A_58 = arith.constant 0 : i32
    %dma_wait3A_59 = arith.constant 0 : i32
    %dma_wait3A_60 = tpu.memref_slice %arg9[%dma_wait3A_56, %dma_wait3A_58, %dma_wait3A_59] : memref<2x256x32xbf16, #tpu.memory_space<vmem>> -> memref<1x256x32xbf16, #tpu.memory_space<vmem>>
    %dma_wait3A_61 = tpu.memref_squeeze %dma_wait3A_60 : memref<1x256x32xbf16, #tpu.memory_space<vmem>> -> memref<256x32xbf16, #tpu.memory_space<vmem>>
    %dma_wait3A_62 = arith.constant 0 : i32
    %dma_wait3A_63 = tpu.memref_slice %arg8[%dma_wait3A_57, %dma_wait3A_62] : memref<52x256xi32, #tpu.memory_space<vmem>> -> memref<1x256xi32, #tpu.memory_space<vmem>>
    %dma_wait3A_64 = tpu.memref_squeeze %dma_wait3A_63 : memref<1x256xi32, #tpu.memory_space<vmem>> -> memref<256xi32, #tpu.memory_space<vmem>>
    %dma_wait3A_65 = arith.constant 0 : i32
    %dma_wait3A_66 = arith.constant 0 : i32
    %dma_wait3A_67 = tpu.memref_slice %arg10[%dma_wait3A_65, %dma_wait3A_66] : memref<10240x32xbf16, #tpu.memory_space<vmem_shared>> -> memref<10240x32xbf16, #tpu.memory_space<vmem_shared>>
    tpu.wait_indirect_dma semaphore(%arg14 : memref<!tpu.dma_semaphore, #tpu.memory_space<semaphore_mem>>) src(%dma_wait3A_61 : memref<256x32xbf16, #tpu.memory_space<vmem>>) dst(%dma_wait3A_67 : memref<10240x32xbf16, #tpu.memory_space<vmem_shared>>)
    %barrier3A_68 = arith.constant 0 : index
    tpu.barrier barrier_id(%barrier3A_68)
    %mul3A_69 = arith.constant 640 : i32
    %mul3A_70 = arith.muli %arg1, %mul3A_69 : i32
    %mul3A_71 = arith.constant 640 : i32
    %mul3A_72 = arith.muli %arg1, %mul3A_71 : i32
    "tpu.region"() ({
      %run_scoped3A = tpu.sem_alloc : memref<!tpu.dma_semaphore, #tpu.memory_space<semaphore_mem>>
      %dma_start3A_73 = arith.constant 0 : i32
      %dma_start3A_74 = tpu.memref_slice %arg6[%arg0, %mul3A_72, %dma_start3A_73] : memref<2x10240x32xbf16, #tpu.memory_space<hbm>> -> memref<1x640x32xbf16, #tpu.memory_space<hbm>>
      %dma_start3A_75 = tpu.memref_squeeze %dma_start3A_74 : memref<1x640x32xbf16, #tpu.memory_space<hbm>> -> memref<640x32xbf16, #tpu.memory_space<hbm>>
      %dma_start3A_76 = arith.constant 0 : i32
      %dma_start3A_77 = tpu.memref_slice %arg10[%mul3A_70, %dma_start3A_76] : memref<10240x32xbf16, #tpu.memory_space<vmem_shared>> -> memref<640x32xbf16, #tpu.memory_space<vmem_shared>>
      tpu.enqueue_dma source(%dma_start3A_77 : memref<640x32xbf16, #tpu.memory_space<vmem_shared>>) target(%dma_start3A_75 : memref<640x32xbf16, #tpu.memory_space<hbm>>) target_semaphore(%run_scoped3A : memref<!tpu.dma_semaphore, #tpu.memory_space<semaphore_mem>>)
      %dma_wait3A_78 = arith.constant 0 : i32
      %dma_wait3A_79 = tpu.memref_slice %arg6[%arg0, %mul3A_72, %dma_wait3A_78] : memref<2x10240x32xbf16, #tpu.memory_space<hbm>> -> memref<1x640x32xbf16, #tpu.memory_space<hbm>>
      %dma_wait3A_80 = tpu.memref_squeeze %dma_wait3A_79 : memref<1x640x32xbf16, #tpu.memory_space<hbm>> -> memref<640x32xbf16, #tpu.memory_space<hbm>>
      %dma_wait3A_81 = arith.constant 0 : i32
      %dma_wait3A_82 = tpu.memref_slice %arg10[%mul3A_70, %dma_wait3A_81] : memref<10240x32xbf16, #tpu.memory_space<vmem_shared>> -> memref<640x32xbf16, #tpu.memory_space<vmem_shared>>
      tpu.wait_dma2 semaphore(%run_scoped3A : memref<!tpu.dma_semaphore, #tpu.memory_space<semaphore_mem>>) src(%dma_wait3A_82 : memref<640x32xbf16, #tpu.memory_space<vmem_shared>>) dst(%dma_wait3A_80 : memref<640x32xbf16, #tpu.memory_space<hbm>>)
      tpu.yield
    }) : () -> ()
    return
  }
}

module attributes {stable_mosaic.version = 14 : i64} {
  func.func @_tc1_body(%arg0: i32, %arg1: memref<2x400x16xf32, #tpu.memory_space<vmem>>, %arg2: memref<400x128xf32, #tpu.memory_space<vmem>>, %arg3: memref<128x64xf32, #tpu.memory_space<vmem>>, %arg4: memref<400x64xbf16, #tpu.memory_space<vmem>>, %arg5: memref<400x1xf32, #tpu.memory_space<vmem>>) attributes {dimension_semantics = [#tpu.dimension_semantics<arbitrary>], iteration_bounds = array<i64: 25>, scalar_prefetch = 0 : i64, scratch_operands = 0 : i64, tpu.core_type = #tpu.core_type<tc>, window_params = [{transform_indices = @transform_0, window_bounds = array<i64: 2, 400, 16>}, {transform_indices = @transform_1, window_bounds = array<i64: 400, 128>}, {pipeline_mode = #tpu.pipeline_mode<synchronous>, transform_indices = @transform_2, window_bounds = array<i64: 128, 64>}, {transform_indices = @transform_3, window_bounds = array<i64: 400, 64>}, {transform_indices = @transform_4, window_bounds = array<i64: 400, 1>}]} {
    %get3A = arith.constant 0 : index
    %get3A_0 = arith.constant 0 : index
    %get3A_1 = arith.constant 0 : index
    %get3A_2 = vector.load %arg1[%get3A, %get3A_0, %get3A_1] : memref<2x400x16xf32, #tpu.memory_space<vmem>>, vector<2x400x16xf32>
    %slice3A = vector.extract_strided_slice %get3A_2 {offsets = [0, 0, 0], sizes = [1, 400, 1], strides = [1, 1, 1]} : vector<2x400x16xf32> to vector<1x400x1xf32>
    %squeeze3A = vector.shape_cast %slice3A : vector<1x400x1xf32> to vector<400x1xf32>
    %slice3A_3 = vector.extract_strided_slice %get3A_2 {offsets = [1, 0, 0], sizes = [1, 400, 1], strides = [1, 1, 1]} : vector<2x400x16xf32> to vector<1x400x1xf32>
    %squeeze3A_4 = vector.shape_cast %slice3A_3 : vector<1x400x1xf32> to vector<400x1xf32>
    %add3A = arith.addf %squeeze3A, %squeeze3A_4 : vector<400x1xf32>
    %add3A_5 = arith.constant 1.000000e+00 : f32
    %add3A_6 = vector.broadcast %add3A_5 : f32 to vector<400x1xf32>
    %add3A_7 = arith.addf %add3A, %add3A_6 : vector<400x1xf32>
    %rsqrt3A = math.rsqrt %add3A_7 : vector<400x1xf32>
    %get3A_8 = arith.constant 0 : index
    %get3A_9 = arith.constant 0 : index
    %get3A_10 = vector.load %arg2[%get3A_8, %get3A_9] : memref<400x128xf32, #tpu.memory_space<vmem>>, vector<400x128xf32>
    %get3A_11 = arith.constant 0 : index
    %get3A_12 = arith.constant 0 : index
    %get3A_13 = vector.load %arg3[%get3A_11, %get3A_12] : memref<128x64xf32, #tpu.memory_space<vmem>>, vector<128x64xf32>
    %dot_general3A = arith.constant dense<0.000000e+00> : vector<400x64xf32>
    %dot_general3A_14 = tpu.matmul %get3A_10, %get3A_13, %dot_general3A {dimension_numbers = #tpu.dot_dimension_numbers<[1], [0], [0], [1], [0, 0, 1, 1], [], []>, transpose_lhs_hint = false} : vector<400x128xf32>, vector<128x64xf32>, vector<400x64xf32> -> vector<400x64xf32>
    %mul3A = vector.broadcast %rsqrt3A : vector<400x1xf32> to vector<400x64xf32>
    %mul3A_15 = arith.mulf %dot_general3A_14, %mul3A : vector<400x64xf32>
    %convert_element_type3A = arith.truncf %mul3A_15 : vector<400x64xf32> to vector<400x64xbf16>
    %swap3A = arith.constant 0 : index
    %swap3A_16 = arith.constant 0 : index
    %swap3A_17 = vector.load %arg4[%swap3A, %swap3A_16] : memref<400x64xbf16, #tpu.memory_space<vmem>>, vector<400x64xbf16>
    tpu.vector_store %arg4[%swap3A, %swap3A_16], %convert_element_type3A {strides = array<i32>} : memref<400x64xbf16, #tpu.memory_space<vmem>>, vector<400x64xbf16>,
    %swap3A_18 = arith.constant 0 : index
    %swap3A_19 = arith.constant 0 : index
    %swap3A_20 = vector.load %arg5[%swap3A_18, %swap3A_19] : memref<400x1xf32, #tpu.memory_space<vmem>>, vector<400x1xf32>
    tpu.vector_store %arg5[%swap3A_18, %swap3A_19], %rsqrt3A {strides = array<i32>} : memref<400x1xf32, #tpu.memory_space<vmem>>, vector<400x1xf32>,
    return
  }
  func.func @transform_0(%arg0: i32) -> (i32, i32, i32) {
    %c0_i32 = arith.constant 0 : i32
    %c0_i32_0 = arith.constant 0 : i32
    %c0_i32_1 = arith.constant 0 : i32
    return %c0_i32, %arg0, %c0_i32_0 : i32, i32, i32
  }
  func.func @transform_1(%arg0: i32) -> (i32, i32) {
    %c0_i32 = arith.constant 0 : i32
    %c0_i32_0 = arith.constant 0 : i32
    return %arg0, %c0_i32 : i32, i32
  }
  func.func @transform_2(%arg0: i32) -> (i32, i32) {
    %c0_i32 = arith.constant 0 : i32
    %c0_i32_0 = arith.constant 0 : i32
    %c0_i32_1 = arith.constant 0 : i32
    return %c0_i32, %c0_i32_0 : i32, i32
  }
  func.func @transform_3(%arg0: i32) -> (i32, i32) {
    %c0_i32 = arith.constant 0 : i32
    %c0_i32_0 = arith.constant 0 : i32
    return %arg0, %c0_i32 : i32, i32
  }
  func.func @transform_4(%arg0: i32) -> (i32, i32) {
    %c0_i32 = arith.constant 0 : i32
    %c0_i32_0 = arith.constant 0 : i32
    return %arg0, %c0_i32 : i32, i32
  }
}

module attributes {stable_mosaic.version = 14 : i64} {
  func.func @_tc2_body(%arg0: i32, %arg1: memref<2x400x64xbf16, #tpu.memory_space<vmem>>, %arg2: memref<400x64xbf16, #tpu.memory_space<vmem>>, %arg3: memref<400x1xf32, #tpu.memory_space<vmem>>, %arg4: memref<1x64xf32, #tpu.memory_space<vmem>>, %arg5: memref<64x32xf32, #tpu.memory_space<vmem>>, %arg6: memref<400x32xbf16, #tpu.memory_space<vmem>>) attributes {dimension_semantics = [#tpu.dimension_semantics<arbitrary>], iteration_bounds = array<i64: 25>, scalar_prefetch = 0 : i64, scratch_operands = 0 : i64, tpu.core_type = #tpu.core_type<tc>, window_params = [{transform_indices = @transform_0, window_bounds = array<i64: 2, 400, 64>}, {transform_indices = @transform_1, window_bounds = array<i64: 400, 64>}, {transform_indices = @transform_2, window_bounds = array<i64: 400, 1>}, {pipeline_mode = #tpu.pipeline_mode<synchronous>, transform_indices = @transform_3, window_bounds = array<i64: 1, 64>}, {pipeline_mode = #tpu.pipeline_mode<synchronous>, transform_indices = @transform_4, window_bounds = array<i64: 64, 32>}, {transform_indices = @transform_5, window_bounds = array<i64: 400, 32>}]} {
    %get3A = arith.constant 0 : index
    %get3A_0 = arith.constant 0 : index
    %get3A_1 = arith.constant 0 : index
    %get3A_2 = vector.load %arg1[%get3A, %get3A_0, %get3A_1] : memref<2x400x64xbf16, #tpu.memory_space<vmem>>, vector<2x400x64xbf16>
    %convert_element_type3A = arith.extf %get3A_2 : vector<2x400x64xbf16> to vector<2x400x64xf32>
    %get3A_3 = arith.constant 0 : index
    %get3A_4 = arith.constant 0 : index
    %get3A_5 = vector.load %arg3[%get3A_3, %get3A_4] : memref<400x1xf32, #tpu.memory_space<vmem>>, vector<400x1xf32>
    %slice3A = vector.extract_strided_slice %convert_element_type3A {offsets = [0, 0, 0], sizes = [1, 400, 64], strides = [1, 1, 1]} : vector<2x400x64xf32> to vector<1x400x64xf32>
    %squeeze3A = vector.shape_cast %slice3A : vector<1x400x64xf32> to vector<400x64xf32>
    %slice3A_6 = vector.extract_strided_slice %convert_element_type3A {offsets = [1, 0, 0], sizes = [1, 400, 64], strides = [1, 1, 1]} : vector<2x400x64xf32> to vector<1x400x64xf32>
    %squeeze3A_7 = vector.shape_cast %slice3A_6 : vector<1x400x64xf32> to vector<400x64xf32>
    %add3A = arith.addf %squeeze3A, %squeeze3A_7 : vector<400x64xf32>
    %get3A_8 = arith.constant 0 : index
    %get3A_9 = arith.constant 0 : index
    %get3A_10 = vector.load %arg2[%get3A_8, %get3A_9] : memref<400x64xbf16, #tpu.memory_space<vmem>>, vector<400x64xbf16>
    %convert_element_type3A_11 = arith.extf %get3A_10 : vector<400x64xbf16> to vector<400x64xf32>
    %add3A_12 = arith.addf %add3A, %convert_element_type3A_11 : vector<400x64xf32>
    %mul3A = vector.broadcast %get3A_5 : vector<400x1xf32> to vector<400x64xf32>
    %mul3A_13 = arith.mulf %mul3A, %add3A_12 : vector<400x64xf32>
    %get3A_14 = arith.constant 0 : index
    %get3A_15 = arith.constant 0 : index
    %get3A_16 = vector.load %arg4[%get3A_14, %get3A_15] : memref<1x64xf32, #tpu.memory_space<vmem>>, vector<1x64xf32>
    %add3A_17 = vector.broadcast %get3A_16 : vector<1x64xf32> to vector<400x64xf32>
    %add3A_18 = arith.addf %mul3A_13, %add3A_17 : vector<400x64xf32>
    %max3A = arith.constant 0.000000e+00 : f32
    %max3A_19 = vector.broadcast %max3A : f32 to vector<400x64xf32>
    %max3A_20 = arith.maximumf %add3A_18, %max3A_19 : vector<400x64xf32>
    %get3A_21 = arith.constant 0 : index
    %get3A_22 = arith.constant 0 : index
    %get3A_23 = vector.load %arg5[%get3A_21, %get3A_22] : memref<64x32xf32, #tpu.memory_space<vmem>>, vector<64x32xf32>
    %dot_general3A = arith.constant dense<0.000000e+00> : vector<400x32xf32>
    %dot_general3A_24 = tpu.matmul %max3A_20, %get3A_23, %dot_general3A {dimension_numbers = #tpu.dot_dimension_numbers<[1], [0], [0], [1], [0, 0, 1, 1], [], []>, transpose_lhs_hint = false} : vector<400x64xf32>, vector<64x32xf32>, vector<400x32xf32> -> vector<400x32xf32>
    %mul3A_25 = vector.broadcast %get3A_5 : vector<400x1xf32> to vector<400x32xf32>
    %mul3A_26 = arith.mulf %dot_general3A_24, %mul3A_25 : vector<400x32xf32>
    %convert_element_type3A_27 = arith.truncf %mul3A_26 : vector<400x32xf32> to vector<400x32xbf16>
    %swap3A = arith.constant 0 : index
    %swap3A_28 = arith.constant 0 : index
    %swap3A_29 = vector.load %arg6[%swap3A, %swap3A_28] : memref<400x32xbf16, #tpu.memory_space<vmem>>, vector<400x32xbf16>
    tpu.vector_store %arg6[%swap3A, %swap3A_28], %convert_element_type3A_27 {strides = array<i32>} : memref<400x32xbf16, #tpu.memory_space<vmem>>, vector<400x32xbf16>,
    return
  }
  func.func @transform_0(%arg0: i32) -> (i32, i32, i32) {
    %c0_i32 = arith.constant 0 : i32
    %c0_i32_0 = arith.constant 0 : i32
    %c0_i32_1 = arith.constant 0 : i32
    return %c0_i32, %arg0, %c0_i32_0 : i32, i32, i32
  }
  func.func @transform_1(%arg0: i32) -> (i32, i32) {
    %c0_i32 = arith.constant 0 : i32
    %c0_i32_0 = arith.constant 0 : i32
    return %arg0, %c0_i32 : i32, i32
  }
  func.func @transform_2(%arg0: i32) -> (i32, i32) {
    %c0_i32 = arith.constant 0 : i32
    %c0_i32_0 = arith.constant 0 : i32
    return %arg0, %c0_i32 : i32, i32
  }
  func.func @transform_3(%arg0: i32) -> (i32, i32) {
    %c0_i32 = arith.constant 0 : i32
    %c0_i32_0 = arith.constant 0 : i32
    %c0_i32_1 = arith.constant 0 : i32
    return %c0_i32, %c0_i32_0 : i32, i32
  }
  func.func @transform_4(%arg0: i32) -> (i32, i32) {
    %c0_i32 = arith.constant 0 : i32
    %c0_i32_0 = arith.constant 0 : i32
    %c0_i32_1 = arith.constant 0 : i32
    return %c0_i32, %c0_i32_0 : i32, i32
  }
  func.func @transform_5(%arg0: i32) -> (i32, i32) {
    %c0_i32 = arith.constant 0 : i32
    %c0_i32_0 = arith.constant 0 : i32
    return %arg0, %c0_i32 : i32, i32
  }
}

module attributes {stable_mosaic.version = 14 : i64} {
  func.func @_tc3_body(%arg0: i32, %arg1: memref<2x400x32xbf16, #tpu.memory_space<vmem>>, %arg2: memref<400x32xbf16, #tpu.memory_space<vmem>>, %arg3: memref<400x1xf32, #tpu.memory_space<vmem>>, %arg4: memref<1x32xf32, #tpu.memory_space<vmem>>, %arg5: memref<400x1xi32, #tpu.memory_space<vmem>>, %arg6: memref<32x32xf32, #tpu.memory_space<vmem>>, %arg7: memref<1x32xf32, #tpu.memory_space<vmem>>, %arg8: memref<16x32xf32, #tpu.memory_space<vmem>>, %arg9: memref<16x32xf32, #tpu.memory_space<vmem>>) attributes {dimension_semantics = [#tpu.dimension_semantics<arbitrary>], iteration_bounds = array<i64: 25>, scalar_prefetch = 0 : i64, scratch_operands = 1 : i64, tpu.core_type = #tpu.core_type<tc>, window_params = [{transform_indices = @transform_0, window_bounds = array<i64: 2, 400, 32>}, {transform_indices = @transform_1, window_bounds = array<i64: 400, 32>}, {transform_indices = @transform_2, window_bounds = array<i64: 400, 1>}, {pipeline_mode = #tpu.pipeline_mode<synchronous>, transform_indices = @transform_3, window_bounds = array<i64: 1, 32>}, {transform_indices = @transform_4, window_bounds = array<i64: 400, 1>}, {pipeline_mode = #tpu.pipeline_mode<synchronous>, transform_indices = @transform_5, window_bounds = array<i64: 32, 32>}, {pipeline_mode = #tpu.pipeline_mode<synchronous>, transform_indices = @transform_6, window_bounds = array<i64: 1, 32>}, {pipeline_mode = #tpu.pipeline_mode<synchronous>, transform_indices = @transform_7, window_bounds = array<i64: 16, 32>}]} {
    %eq3A = arith.constant 0 : i32
    %eq3A_0 = arith.cmpi eq, %arg0, %eq3A : i32
    %convert_element_type3A = arith.extui %eq3A_0 : i1 to i32
    %cond3A = arith.constant 0 : i32
    %cond3A_1 = arith.cmpi ne, %convert_element_type3A, %cond3A : i32
    scf.if %cond3A_1 {
      %broadcast_in_dim3A_47 = arith.constant 0xFF800000 : f32
      %broadcast_in_dim3A_48 = vector.broadcast %broadcast_in_dim3A_47 : f32 to vector<16x32xf32>
      %swap3A_49 = arith.constant 0 : index
      %swap3A_50 = arith.constant 0 : index
      %swap3A_51 = vector.load %arg9[%swap3A_49, %swap3A_50] : memref<16x32xf32, #tpu.memory_space<vmem>>, vector<16x32xf32>
      tpu.vector_store %arg9[%swap3A_49, %swap3A_50], %broadcast_in_dim3A_48 {strides = array<i32>} : memref<16x32xf32, #tpu.memory_space<vmem>>, vector<16x32xf32>,
    } else {
    }
    %get3A = arith.constant 0 : index
    %get3A_2 = arith.constant 0 : index
    %get3A_3 = arith.constant 0 : index
    %get3A_4 = vector.load %arg1[%get3A, %get3A_2, %get3A_3] : memref<2x400x32xbf16, #tpu.memory_space<vmem>>, vector<2x400x32xbf16>
    %convert_element_type3A_5 = arith.extf %get3A_4 : vector<2x400x32xbf16> to vector<2x400x32xf32>
    %get3A_6 = arith.constant 0 : index
    %get3A_7 = arith.constant 0 : index
    %get3A_8 = vector.load %arg3[%get3A_6, %get3A_7] : memref<400x1xf32, #tpu.memory_space<vmem>>, vector<400x1xf32>
    %slice3A = vector.extract_strided_slice %convert_element_type3A_5 {offsets = [0, 0, 0], sizes = [1, 400, 32], strides = [1, 1, 1]} : vector<2x400x32xf32> to vector<1x400x32xf32>
    %squeeze3A = vector.shape_cast %slice3A : vector<1x400x32xf32> to vector<400x32xf32>
    %slice3A_9 = vector.extract_strided_slice %convert_element_type3A_5 {offsets = [1, 0, 0], sizes = [1, 400, 32], strides = [1, 1, 1]} : vector<2x400x32xf32> to vector<1x400x32xf32>
    %squeeze3A_10 = vector.shape_cast %slice3A_9 : vector<1x400x32xf32> to vector<400x32xf32>
    %add3A = arith.addf %squeeze3A, %squeeze3A_10 : vector<400x32xf32>
    %get3A_11 = arith.constant 0 : index
    %get3A_12 = arith.constant 0 : index
    %get3A_13 = vector.load %arg2[%get3A_11, %get3A_12] : memref<400x32xbf16, #tpu.memory_space<vmem>>, vector<400x32xbf16>
    %convert_element_type3A_14 = arith.extf %get3A_13 : vector<400x32xbf16> to vector<400x32xf32>
    %add3A_15 = arith.addf %add3A, %convert_element_type3A_14 : vector<400x32xf32>
    %mul3A = vector.broadcast %get3A_8 : vector<400x1xf32> to vector<400x32xf32>
    %mul3A_16 = arith.mulf %mul3A, %add3A_15 : vector<400x32xf32>
    %get3A_17 = arith.constant 0 : index
    %get3A_18 = arith.constant 0 : index
    %get3A_19 = vector.load %arg4[%get3A_17, %get3A_18] : memref<1x32xf32, #tpu.memory_space<vmem>>, vector<1x32xf32>
    %add3A_20 = vector.broadcast %get3A_19 : vector<1x32xf32> to vector<400x32xf32>
    %add3A_21 = arith.addf %mul3A_16, %add3A_20 : vector<400x32xf32>
    %max3A = arith.constant 0.000000e+00 : f32
    %max3A_22 = vector.broadcast %max3A : f32 to vector<400x32xf32>
    %max3A_23 = arith.maximumf %add3A_21, %max3A_22 : vector<400x32xf32>
    %iota3A = tpu.iota {dimensions = array<i32: 0>} : vector<16x400x1xi32>
    %get3A_24 = arith.constant 0 : index
    %get3A_25 = arith.constant 0 : index
    %get3A_26 = vector.load %arg5[%get3A_24, %get3A_25] : memref<400x1xi32, #tpu.memory_space<vmem>>, vector<400x1xi32>
    %broadcast_in_dim3A = vector.shape_cast %get3A_26 : vector<400x1xi32> to vector<1x400x1xi32>
    %eq3A_27 = vector.broadcast %broadcast_in_dim3A : vector<1x400x1xi32> to vector<16x400x1xi32>
    %eq3A_28 = arith.cmpi eq, %iota3A, %eq3A_27 : vector<16x400x1xi32>
    %broadcast_in_dim3A_29 = vector.shape_cast %max3A_23 : vector<400x32xf32> to vector<1x400x32xf32>
    %jit3A = arith.constant 0xFF800000 : f32
    %broadcast_in_dim3A_30 = vector.shape_cast %eq3A_28 : vector<16x400x1xi1> to vector<16x400x1xi1>
    %broadcast_in_dim3A_31 = vector.broadcast %broadcast_in_dim3A_30 : vector<16x400x1xi1> to vector<16x400x32xi1>
    %broadcast_in_dim3A_32 = vector.shape_cast %broadcast_in_dim3A_29 : vector<1x400x32xf32> to vector<1x400x32xf32>
    %broadcast_in_dim3A_33 = vector.broadcast %broadcast_in_dim3A_32 : vector<1x400x32xf32> to vector<16x400x32xf32>
    %broadcast_in_dim3A_34 = vector.broadcast %jit3A : f32 to vector<16x400x32xf32>
    %select_n3A = arith.select %broadcast_in_dim3A_31, %broadcast_in_dim3A_33, %broadcast_in_dim3A_34 : vector<16x400x32xi1>, vector<16x400x32xf32>
    %get3A_35 = arith.constant 0 : index
    %get3A_36 = arith.constant 0 : index
    %get3A_37 = vector.load %arg9[%get3A_35, %get3A_36] : memref<16x32xf32, #tpu.memory_space<vmem>>, vector<16x32xf32>
    %reduce_max3A = arith.constant dense<0xFF800000> : vector<16x32xf32>
    %reduce_max3A_38 = vector.multi_reduction <maximumf>, %select_n3A, %reduce_max3A [1] : vector<16x400x32xf32> to vector<16x32xf32>
    %max3A_39 = arith.maximumf %get3A_37, %reduce_max3A_38 : vector<16x32xf32>
    %swap3A = arith.constant 0 : index
    %swap3A_40 = arith.constant 0 : index
    %swap3A_41 = vector.load %arg9[%swap3A, %swap3A_40] : memref<16x32xf32, #tpu.memory_space<vmem>>, vector<16x32xf32>
    tpu.vector_store %arg9[%swap3A, %swap3A_40], %max3A_39 {strides = array<i32>} : memref<16x32xf32, #tpu.memory_space<vmem>>, vector<16x32xf32>,
    %eq3A_42 = arith.constant 24 : i32
    %eq3A_43 = arith.cmpi eq, %arg0, %eq3A_42 : i32
    %convert_element_type3A_44 = arith.extui %eq3A_43 : i1 to i32
    %cond3A_45 = arith.constant 0 : i32
    %cond3A_46 = arith.cmpi ne, %convert_element_type3A_44, %cond3A_45 : i32
    scf.if %cond3A_46 {
      %get3A_47 = arith.constant 0 : index
      %get3A_48 = arith.constant 0 : index
      %get3A_49 = vector.load %arg9[%get3A_47, %get3A_48] : memref<16x32xf32, #tpu.memory_space<vmem>>, vector<16x32xf32>
      %get3A_50 = arith.constant 0 : index
      %get3A_51 = arith.constant 0 : index
      %get3A_52 = vector.load %arg6[%get3A_50, %get3A_51] : memref<32x32xf32, #tpu.memory_space<vmem>>, vector<32x32xf32>
      %dot_general3A = arith.constant dense<0.000000e+00> : vector<16x32xf32>
      %dot_general3A_53 = tpu.matmul %get3A_49, %get3A_52, %dot_general3A {dimension_numbers = #tpu.dot_dimension_numbers<[1], [0], [0], [1], [0, 0, 1, 1], [], []>, transpose_lhs_hint = false} : vector<16x32xf32>, vector<32x32xf32>, vector<16x32xf32> -> vector<16x32xf32>
      %get3A_54 = arith.constant 0 : index
      %get3A_55 = arith.constant 0 : index
      %get3A_56 = vector.load %arg7[%get3A_54, %get3A_55] : memref<1x32xf32, #tpu.memory_space<vmem>>, vector<1x32xf32>
      %add3A_57 = vector.broadcast %get3A_56 : vector<1x32xf32> to vector<16x32xf32>
      %add3A_58 = arith.addf %dot_general3A_53, %add3A_57 : vector<16x32xf32>
      %swap3A_59 = arith.constant 0 : index
      %swap3A_60 = arith.constant 0 : index
      %swap3A_61 = vector.load %arg8[%swap3A_59, %swap3A_60] : memref<16x32xf32, #tpu.memory_space<vmem>>, vector<16x32xf32>
      tpu.vector_store %arg8[%swap3A_59, %swap3A_60], %add3A_58 {strides = array<i32>} : memref<16x32xf32, #tpu.memory_space<vmem>>, vector<16x32xf32>,
    } else {
    }
    return
  }
  func.func @transform_0(%arg0: i32) -> (i32, i32, i32) {
    %c0_i32 = arith.constant 0 : i32
    %c0_i32_0 = arith.constant 0 : i32
    %c0_i32_1 = arith.constant 0 : i32
    return %c0_i32, %arg0, %c0_i32_0 : i32, i32, i32
  }
  func.func @transform_1(%arg0: i32) -> (i32, i32) {
    %c0_i32 = arith.constant 0 : i32
    %c0_i32_0 = arith.constant 0 : i32
    return %arg0, %c0_i32 : i32, i32
  }
  func.func @transform_2(%arg0: i32) -> (i32, i32) {
    %c0_i32 = arith.constant 0 : i32
    %c0_i32_0 = arith.constant 0 : i32
    return %arg0, %c0_i32 : i32, i32
  }
  func.func @transform_3(%arg0: i32) -> (i32, i32) {
    %c0_i32 = arith.constant 0 : i32
    %c0_i32_0 = arith.constant 0 : i32
    %c0_i32_1 = arith.constant 0 : i32
    return %c0_i32, %c0_i32_0 : i32, i32
  }
  func.func @transform_4(%arg0: i32) -> (i32, i32) {
    %c0_i32 = arith.constant 0 : i32
    %c0_i32_0 = arith.constant 0 : i32
    return %arg0, %c0_i32 : i32, i32
  }
  func.func @transform_5(%arg0: i32) -> (i32, i32) {
    %c0_i32 = arith.constant 0 : i32
    %c0_i32_0 = arith.constant 0 : i32
    %c0_i32_1 = arith.constant 0 : i32
    return %c0_i32, %c0_i32_0 : i32, i32
  }
  func.func @transform_6(%arg0: i32) -> (i32, i32) {
    %c0_i32 = arith.constant 0 : i32
    %c0_i32_0 = arith.constant 0 : i32
    %c0_i32_1 = arith.constant 0 : i32
    return %c0_i32, %c0_i32_0 : i32, i32
  }
  func.func @transform_7(%arg0: i32) -> (i32, i32) {
    %c0_i32 = arith.constant 0 : i32
    %c0_i32_0 = arith.constant 0 : i32
    %c0_i32_1 = arith.constant 0 : i32
    return %c0_i32, %c0_i32_0 : i32, i32
  }
}

</mosaic_0001>

<sc_bundles>
// kernel: kernel.11.cloned.1.call-start
scs
__scs_entry_jumppad:
0x0: {  	(pc) =	sbr.rel $0x88, $3  }
0x1: {  	(tag) =	ssettag $0x0;
	lr =	simm.s32 $0x1  }
0x2: {  	[smem:$0x3F98] =	sst lr;
	_ =	strace $0xD0000000  }
0x3: {  	_ = 	snop  }
0x4: {  	_ = 	snop  }
0x5: {  	_ = 	snop  }
0x6: {  	_ = 	snop  }
0x7: {  	_ = 	snop  }
__scs_overlays_trampoline_lowered:
0x8: {  	[smem:$0x3FA7] =	sst s0  }
0x9: {  	[smem:$0x3FA8] =	sst s1  }
0xa: {  	[smem:$0x3FA9] =	sst s2  }
0xb: {  	[smem:$0x3FAA] =	sst s3  }
0xc: {  	[smem:$0x3FAB] =	sst s4  }
0xd: {  	[smem:$0x3FAC] =	sst s5  }
0xe: {  	[smem:$0x3FAD] =	sst s6  }
0xf: {  	[smem:$0x3FAE] =	sst s7  }
0x10: {  	[smem:$0x3FAF] =	sst s8  }
0x11: {  	[smem:$0x3FB0] =	sst s9;
	s0 =	simm.s32 @!p0 $0x0  }
0x12: {  	s1 =	sld [smem:$0x3F96];
	s0 =	simm.s32 @p0 $0x1  }
0x13: {  	[smem:$0x3FB1] =	sst s0;
	s0 =	simm.s32 @!p1 $0x0  }
0x14: {  	s2 =	sld [smem:$0x3F95];
	s0 =	simm.s32 @p1 $0x1  }
0x15: {  	[smem:$0x3FB2] =	sst s0;
	s0 =	simm.s32 @!p2 $0x0  }
0x16: {  	s3 =	sld [smem:$0x3FDB];
	s0 =	simm.s32 @p2 $0x1  }
0x17: {  	s4 =	simm.s32 $0x1BF5;
	[smem:$0x3FB4] =	sst s0  }
0x18: {  	s0 =	sld [smem:$0x3F97];
	_ =	swait.ge [sflag:s4], $0x0  }
0x19: {  	s7 =	sld [smem:$0x3F98]  }
0x1a: {  	s8 =	sadd.s32 $0xFFFFE003, lr  }
0x1b: {  	s9 =	sadd.s32 $0xFFFFFEF7, lr;
	s5 =	simm.s32 $0xFFFFFFFF;
	p2 =	slt.u32 s8, $0xFFFFF086  }
0x1c: {  	p1 =	slt.u32 s9, $0xF7A;
	s5 =	simm.s32 @!p2 $0x0  }
0x1d: {  	s5 =	simm.s32 @p1 $0x1;
	p0 =	seq.s32 s7, s2  }
0x1e: {  	s7 =	smul.u32 @!p0 $0xF7A, s2;
	p2 =	seq.s32 @!p0 s5, $0x0  }
0x1f: {  	s9 =	smul.u32 $0xF7A, s1;
	s8 =	simm.s32 @!p0 $0x1BF5;
	p2 =	por !p2, p0  }
0x20: {  	[sflag:s8] =	ssyncset.s32 @!p0 $0xFFFFF086;
	s6 =	sadd.s32 @!p0 s3, s7;
	s7 =	simm.s32 @!p0 $0x108  }
0x21: {  	s3 =	sadd.s32 s3, s9;
	s6 =	sadd.s32 @!p0 $0x88, s6;
	s7 =	simm.s32 @p2 $0x1082  }
0x22: {  	[simem:s7], [sflag:s8] =	dma.local @!p0 [hbm:s6], $0xF7A  }
0x23: {  	s9 =	sor.u32 $0xD0000000, s2;
	s6 =	simm.s32 $0x108;
	_ =	swait.ge @!p0 [sflag:s8], $0x0  }
0x24: {  	s3 =	sadd.s32 $0x88, s3;
	s6 =	simm.s32 @!p1 $0x1082;
	[sflag:s4] =	ssyncset.s32 $0xFFFFF086  }
0x25: {  	[simem:s6], [sflag:s4] =	dma.local [hbm:s3], $0xF7A  }
0x26: {  	[smem:$0x3F98] =	sst s1;
	(tag) =	ssettag s2;
	_ =	strace s9  }
0x27: {  	s1 =	sld [smem:$0x3FA8]  }
0x28: {  	s2 =	sld [smem:$0x3FA9]  }
0x29: {  	s4 =	sld [smem:$0x3FAB]  }
0x2a: {  	p0 =	seq.s32 s5, $0x0;
	s5 =	sld [smem:$0x3FAC]  }
0x2b: {  	s6 =	sld [smem:$0x3FAD]  }
0x2c: {  	s7 =	sld [smem:$0x3FAE]  }
0x2d: {  	s3 =	simm.s32 $0x108;
	s8 =	sld [smem:$0x3FAF]  }
0x2e: {  	s3 =	simm.s32 @!p0 $0x1082;
	s9 =	sld [smem:$0x3FB0]  }
0x2f: {  	lr =	sadd.s32 s0, s3;
	s0 =	sld [smem:$0x3FA7]  }
0x30: {  	s3 =	sld [smem:$0x3FAA]  }
0x31: {  	[smem:$0x3FB3] =	sst s10  }
0x32: {  	s10 =	sld [smem:$0x3FB1];
	_ =	sdelay $0x3  }
0x33: {  	p0 =	seq.s32 s10, $0x1;
	s10 =	sld [smem:$0x3FB3];
	_ =	sdelay $0x3  }
0x34: {  	[smem:$0x3FB3] =	sst s10  }
0x35: {  	s10 =	sld [smem:$0x3FB2];
	_ =	sdelay $0x3  }
0x36: {  	p1 =	seq.s32 s10, $0x1;
	s10 =	sld [smem:$0x3FB3];
	_ =	sdelay $0x3  }
0x37: {  	[smem:$0x3FB3] =	sst s10  }
0x38: {  	s10 =	sld [smem:$0x3FB4]  }
0x39: {  	_ = 	snop;
	(pc) =	sbr.ind lr, $3  }
0x3a: {  	_ = 	snop  }
0x3b: {  	_ = 	snop  }
0x3c: {  	p2 =	seq.s32 s10, $0x1;
	s10 =	sld [smem:$0x3FB3]  }
0x3d: {  	_ =	shalt  }
0x3e: {  	_ =	shalt  }
0x3f: {  	_ =	shalt  }
0x40: {  	_ =	shalt  }
0x41: {  	_ =	shalt  }
0x42: {  	_ =	shalt  }
0x43: {  	_ =	shalt  }
0x44: {  	_ =	shalt  }
0x45: {  	_ =	shalt  }
0x46: {  	_ =	shalt  }
0x47: {  	_ =	shalt  }
0x48: {  	_ =	shalt  }
0x49: {  	_ =	shalt  }
0x4a: {  	_ =	shalt  }
0x4b: {  	_ =	shalt  }
0x4c: {  	_ =	shalt  }
0x4d: {  	_ =	shalt  }
0x4e: {  	_ =	shalt  }
0x4f: {  	_ =	shalt  }
0x50: {  	_ =	shalt  }
0x51: {  	_ =	shalt  }
0x52: {  	_ =	shalt  }
0x53: {  	_ =	shalt  }
0x54: {  	_ =	shalt  }
0x55: {  	_ =	shalt  }
0x56: {  	_ =	shalt  }
0x57: {  	_ =	shalt  }
0x58: {  	_ =	shalt  }
0x59: {  	_ =	shalt  }
0x5a: {  	_ =	shalt  }
0x5b: {  	_ =	shalt  }
0x5c: {  	_ =	shalt  }
0x5d: {  	_ =	shalt  }
0x5e: {  	_ =	shalt  }
0x5f: {  	_ =	shalt  }
0x60: {  	_ =	shalt  }
0x61: {  	_ =	shalt  }
0x62: {  	_ =	shalt  }
0x63: {  	_ =	shalt  }
0x64: {  	_ =	shalt  }
0x65: {  	_ =	shalt  }
0x66: {  	_ =	shalt  }
0x67: {  	_ =	shalt  }
0x68: {  	_ =	shalt  }
0x69: {  	_ =	shalt  }
0x6a: {  	_ =	shalt  }
0x6b: {  	_ =	shalt  }
0x6c: {  	_ =	shalt  }
0x6d: {  	_ =	shalt  }
0x6e: {  	_ =	shalt  }
0x6f: {  	_ =	shalt  }
0x70: {  	_ =	shalt  }
0x71: {  	_ =	shalt  }
0x72: {  	_ =	shalt  }
0x73: {  	_ =	shalt  }
0x74: {  	_ =	shalt  }
0x75: {  	_ =	shalt  }
0x76: {  	_ =	shalt  }
0x77: {  	_ =	shalt  }
0x78: {  	_ =	shalt  }
0x79: {  	_ =	shalt  }
0x7a: {  	_ =	shalt  }
0x7b: {  	_ =	shalt  }
0x7c: {  	_ =	shalt  }
0x7d: {  	_ =	shalt  }
0x7e: {  	_ =	shalt  }
0x7f: {  	_ =	shalt  }
0x80: {  	_ =	shalt  }
0x81: {  	_ =	shalt  }
0x82: {  	_ =	shalt  }
0x83: {  	_ =	shalt  }
0x84: {  	_ =	shalt  }
0x85: {  	_ =	shalt  }
0x86: {  	_ =	shalt  }
0x87: {  	_ =	shalt  }
.Lfunc_end0:
.L_simem_size_0:
called_computation.1_lowered:
.L_overlay_start_0:
0x88: {  	s2 =	sld [smem:$0x3FD9]  }
0x89: {  	s3 =	sld [smem:$0x3FFE];
	_ =	sdelay $0x1  }
0x8a: {  	s1 =	srdreg.scid  }
0x8b: {  	s0 =	sand.u32 $0x1, s1  }
0x8c: {  	s16 =	sshll.u32 s0, $0xA;
	s2 =	sadd.s32 s3, s2  }
0x8d: {  	s2 =	sadd.s32 s2, s16  }
0x8e: {  	[smem:$0x3FBF] =	sst s2  }
0x8f: {  	_ = 	snop  }
0x90: {  	(tm) =	ssettm $0x1  }
0x91: {  	s17 =	sld [smem:$0x3FFB];
	_ =	sdelay $0x3  }
0x92: {  	_ =	strace s17  }
0x93: {  	s2 =	sld [smem:$0x3FFC];
	_ =	sdelay $0x3  }
0x94: {  	_ =	strace s2  }
0x95: {  	s2 =	sld [smem:$0x3FFD];
	_ =	sdelay $0x3  }
0x96: {  	_ =	strace s2  }
0x97: {  	_ =	strace $0x8FFFFFFF  }
0x98: {  	s18 =	sld [smem:$0x3FDB];
	_ =	sdelay $0x1  }
0x99: {  	s19 =	simm.s32 $_scs_section_size  }
0x9a: {  	s4 =	simm.s32 $_size__tile_overlayer_lowered;
	s5 =	simm.s32 $_tile_overlayer_lowered  }
0x9b: {  	s22 =	simm.s32 $0x1BFF;
	s21 =	sshll.u32 s5, $0x1;
	s2 =	sadd.s32 s19, s18  }
0x9c: {  	s6 =	simm.s32 $0x0;
	s20 =	sshll.u32 s4, $0x1;
	s4 =	sadd.s32 s21, s2  }
0x9d: {  	[timem:s6], [sflag:s22] =	dma.local [hbm:s4], s20  }
0x9e: {  	_ =	swait.ge [sflag:s22], s20  }
0x9f: {  	s3 =	ssub.s32 $0x0, s20;
	[sflag:s22] =	ssyncset.done $0x0  }
0xa0: {  	[sflag:s22] =	ssyncadd.s32 s3;
	_ =	sdelay $0x1  }
0xa1: {  	s23 =	simm.s32 $0x1B8B  }
0xa2: {  	_ =	swait.ge [sflag:s23], $0x1  }
0xa3: {  	[sflag:s23] =	ssyncset.done $0x0  }
0xa4: {  	s25 =	simm.s32 $0x1B8E;
	s24 =	sld [smem:$0x3FFE];
	[sflag:s23] =	ssyncadd.s32 $0xFFFFFFFF  }
0xa5: {  	s26 =	simm.s32 $execute0_lowered;
	[smem:$0x3FD2] =	sst s25  }
0xa6: {  	s4 =	sshll.u32 s26, $0x1;
	_ =	strace $0x80000049;
	[dreg:$0x1] =	wrdreg $0xFFFFFFFF  }
0xa7: {  	s28 =	simm.s32 $_size_execute0_lowered;
	s2 =	sadd.s32 s2, s4;
	[dreg:$0x0] =	wrdreg $0x0  }
0xa8: {  	s4 =	sshll.u32 s28, $0x1;
	[dreg:$0x2] =	wrdreg s2  }
0xa9: {  	[dreg:$0x3] =	wrdreg s4  }
0xaa: {  	[dreg:$0x4] =	wrdreg $0xC0  }
0xab: {  	_ =	task [dreg:s6], $0x5FFFF  }
0xac: {  	[dreg:$0x1] =	wrdreg $0xFFFFFFFF  }
0xad: {  	[dreg:$0x0] =	wrdreg $0x60  }
0xae: {  	[dreg:$0x2] =	wrdreg s24  }
0xaf: {  	[dreg:$0x3] =	wrdreg $0xA8000  }
0xb0: {  	[dreg:$0x4] =	wrdreg $0x9  }
0xb1: {  	_ =	task.clear_ibuf [dreg:s6], $0x5FFFF;
	_ =	strace $0x90000049  }
0xb2: {  	s29 =	simm.s32 $0x9;
	_ =	strace $0x8000004B  }
0xb3: {  	_ =	swait.ge [sflag:s29], $0x1  }
0xb4: {  	[sflag:s29] =	ssyncadd.s32 $0xFFFFFFFF  }
0xb5: {  	_ =	strace $0x9000004B  }
0xb6: {  	_ =	sfence  }
0xb7: {  	s30 =	sld [smem:$0x0];
	_ =	sdelay $0x2  }
0xb8: {  	s31 =	sshll.u32 s1, $0xD;
	s1 =	sshrl.u32 s1, $0x2  }
0xb9: {  	s3 =	sand.u32 $0x4000, s31;
	s1 =	sadd.s32 s1, s30  }
0xba: {  	s0 =	sor.u32 s3, s0;
	s1 =	sshll.u32 s1, $0x11  }
0xbb: {  	s0 =	sor.u32 s1, s0  }
0xbc: {  	s0 =	sadd.s32 $0x8F2B, s0  }
0xbd: {  	[sflag:s0] =	ssyncadd.remote.s32 $0x1  }
0xbe: {  	_ =	sfence.sel $0xFFFF  }
0xbf: {  	[dreg:$0x0] =	wrdreg $0xFFFFFFFF;
	(pc) =	sbr.abs _section_cstart, $3  }
0xc0: {  	[dreg:$0x1] =	wrdreg $0xFFFFFFFF  }
0xc1: {  	_ =	task.clear_ibuf [dreg:s6], $0x2FFFF;
	_ =	strace $0x9FFFFFFF  }
0xc2: {  	(tm) =	ssettm $0x7FFFFFFF  }
0xc3: {  	_ =	shalt  }
tec
execute0_lowered:
.L_overlay_start_1:
0x0: {  	(tag) =	ssettag $0x1  }
0x1: {  	s0 =	rddreg [dreg:$0x0];
	s3 =	srdreg.scid  }
0x2: {  	s2 =	rddreg [dreg:$0x1];
	s1 =	stileid.u32;
	s12 =	simm.s32 $0x5  }
0x3: {  	s13 =	simm.s32 $0x3400;
	s16 =	simm.s32 $0x100;
	s17 =	simm.s32 $0x6800  }
0x4: {  	s18 =	simm.s32 $0x1;
	s19 =	simm.s32 $0x8800;
	s20 =	simm.s32 $0x2  }
0x5: {  	s22 =	simm.s32 $0x3;
	s23 =	simm.s32 $0x200;
	s24 =	simm.s32 $0x4  }
0x6: {  	s25 =	simm.s32 $0x0;
	s6 =	sand.u32 $0x1, s3;
	s8 =	smul.u32 $0xA000, s1  }
0x7: {  	s3 =	simm.s32 $0x0;
	s31 =	sshll.u32 s1, $0x6;
	s4 =	sshll.u32 s6, $0x4  }
0x8: {  	s5 =	smul.u32 $0xA0000, s6;
	[smem:$0x7FF] =	sst s3;
	s10 =	ssub.s32 $0x2, s6  }
0x9: {  	p0 =	seq.s32 s6, $0x0;
	s6 =	simm.s32 $0x34;
	s14 =	sor.u32 $0x1C05, s31  }
0xa: {  	s4 =	sor.u32 s1, s4;
	_ =	strace $0x8000004A;
	s29 =	sshrl.u32 s10, $0x1  }
0xb: {  	s6 =	simm.s32 @!p0 $0x1C;
	s11 =	sshrl.u32 s8, $0x1;
	s7 =	smul.u32 $0x680, s4  }
0xc: {  	s4 =	sadd.s32 $0xE600, s0;
	s5 =	sadd.s32 s8, s5;
	s10 =	ssub.s32 s10, s29  }
0xd: {  	s15 =	sadd.s32 s11, s2;
	s30 =	sshll.u32 s6, $0xA;
	s28 =	sshrl.u32 s5, $0x4  }
0xe: {  	s5 =	sadd.s32 $0x25E00, s0;
	s10 =	smax.u32 s10, $0x1;
	s11 =	sadd.s32 $0xFFFFF000, s30  }
0xf: {  	s15 =	sshrl.u32 s15, $0x3;
	s9 =	sadd.s32 s7, s0;
	s0 =	sadd.s32 s28, s0  }
0x10: {  	s7 =	sadd.s32 $0x18E00, s9;
	s8 =	sadd.s32 $0x1600, s9;
	s9 =	sadd.s32 $0x26800, s0  }
.LBB2_1:
0x11: {  	[tilespmem:s3], [sflag:$0x5] =	stream.linear.gather [hbm4b:s7+s3], $0x3400, $0x38;
	[tilespmem:$0xF800] =	vst v63  }
0x12: {  	_ =	swait.ge [sflag:s12], $0x3400  }
0x13: {  	[sflag:s12] =	ssyncset.done $0x0  }
0x14: {  	[sflag:s12] =	ssyncadd.s32 $0xFFFFCC00  }
0x15: {  	[tilespmem:s13], [sflag:$0x5] =	stream.linear.gather [hbm4b:s8+s3], $0x3400, $0x38;
	[tilespmem:$0xF800] =	vst v63  }
0x16: {  	_ =	swait.ge [sflag:s12], $0x3400  }
0x17: {  	[sflag:s12] =	ssyncset.done $0x0  }
0x18: {  	[sflag:s12] =	ssyncadd.s32 $0xFFFFCC00  }
0x19: {  	[spmem:s15], [sflag:s14] =	dma.local [hbm:s5], $0xA00  }
0x1a: {  	_ =	swait.ge [sflag:s12], $0xA00  }
0x1b: {  	[sflag:s12] =	ssyncset.done $0x0  }
0x1c: {  	[sflag:s12] =	ssyncadd.s32 $0xFFFFF600  }
0x1d: {  	[bflag:$0x0] =	sbarrier.arrive $0xFFFF  }
0x1e: {  	[tilespmem:s17], [sflag:$0x1] =	stream.indirect.gather [hbm4b:s4+s16], $0x20, s3, s16, $0xb8;
	[tilespmem:$0xF800] =	vst v63  }
0x1f: {  	_ =	swait.ge [sflag:s18], $0x2000  }
0x20: {  	[sflag:s18] =	ssyncset.done $0x0  }
0x21: {  	[sflag:s18] =	ssyncadd.s32 $0xFFFFE000  }
0x22: {  	[spmem:s2] =	stream.indirect.scatter.add.bf16 [tilespmem:s17], [sflag:$0x3], $0x20, s13, s16, $0xb8;
	[tilespmem:$0xF800] =	vst v63  }
0x23: {  	_ = 	snop  }
0x24: {  	[tilespmem:s19], [sflag:$0x2] =	stream.indirect.gather [hbm4b:s4+s16], $0x20, s16, s16, $0xb8;
	[tilespmem:$0xF800] =	vst v63  }
0x25: {  	_ =	swait.ge [sflag:s20], $0x2000  }
0x26: {  	[sflag:s20] =	ssyncset.done $0x0  }
0x27: {  	s0 =	simm.s32 $0x3500;
	[sflag:s20] =	ssyncadd.s32 $0xFFFFE000  }
0x28: {  	[spmem:s2] =	stream.indirect.scatter.add.bf16 [tilespmem:s19], [sflag:$0x4], $0x20, s0, s16, $0xb8;
	[tilespmem:$0xF800] =	vst v63  }
0x29: {  	_ =	swait.ge [sflag:s22], $0x2000  }
0x2a: {  	[sflag:s22] =	ssyncset.done $0x0  }
0x2b: {  	[sflag:s22] =	ssyncadd.s32 $0xFFFFE000  }
0x2c: {  	[tilespmem:s17], [sflag:$0x1] =	stream.indirect.gather [hbm4b:s4+s16], $0x20, s23, s16, $0xb8;
	[tilespmem:$0xF800] =	vst v63  }
0x2d: {  	_ =	swait.ge [sflag:s18], $0x2000  }
0x2e: {  	p0 =	sle.u32 s6, $0x3;
	[sflag:s18] =	ssyncset.done $0x0  }
0x2f: {  	s21 =	simm.s32 $0x3600;
	s26 =	simm.s32 @!p0 $0x4;
	[sflag:s18] =	ssyncadd.s32 $0xFFFFE000  }
0x30: {  	[spmem:s2] =	stream.indirect.scatter.add.bf16 [tilespmem:s17], [sflag:$0x3], $0x20, s21, s16, $0xb8;
	[tilespmem:$0xF800] =	vst v63  }
0x31: {  	_ =	swait.ge @!p0 [sflag:s26], $0x2000  }
0x32: {  	s28 =	simm.s32 @!p0 $0x100;
	[sflag:s26] =	ssyncset.done @!p0 $0x0  }
0x33: {  	s29 =	simm.s32 @!p0 $0x8800;
	s0 =	simm.s32 @!p0 $0x300;
	[sflag:s26] =	ssyncadd.s32 @!p0 $0xFFFFE000  }
0x34: {  	[tilespmem:s29], [sflag:$0x2] =	stream.indirect.gather @!p0 [hbm4b:s4+s28], $0x20, s0, s28, $0xb8;
	[tilespmem:$0xF800] =	vst v63  }
0x35: {  	p1 =	sne.s32 s11, $0x800;
	s26 =	simm.s32 $0x3700;
	_ =	swait.ge [sflag:s20], $0x2000  }
.Ltmp0:
0x36: {  	p0 =	sle.u32 s6, $0x4;
	[sflag:s20] =	ssyncset.done $0x0;
	(pc) =	sbr.rel @!p1 .LBB2_3-.Ltmp0, $4  }
0x37: {  	s28 =	simm.s32 $0x4;
	s29 =	simm.s32 @!p0 $0x3;
	[sflag:s20] =	ssyncadd.s32 $0xFFFFE000  }
0x38: {  	[spmem:s2] =	stream.indirect.scatter.add.bf16 [tilespmem:s19], [sflag:$0x4], $0x20, s26, s16, $0xb8;
	[tilespmem:$0xF800] =	vst v63  }
0x39: {  	s30 =	simm.s32 @!p0 $0x400;
	s31 =	simm.s32 @!p0 $0x100;
	_ =	swait.ge @!p0 [sflag:s29], $0x2000  }
0x3a: {  	s0 =	simm.s32 @!p0 $0x6800;
	s26 =	simm.s32 $0x800;
	[sflag:s29] =	ssyncset.done @!p0 $0x0  }
.LBB2_2:
0x3b: {  	[sflag:s29] =	ssyncadd.s32 @!p0 $0xFFFFE000  }
0x3c: {  	s28 =	sadd.s32 $0x2, s28;
	s1 =	smov.u32 s26;
	s26 =	sadd.s32 $0x800, s26  }
0x3d: {  	[tilespmem:s0], [sflag:$0x1] =	stream.indirect.gather @!p0 [hbm4b:s4+s31], $0x20, s30, s31, $0xb8;
	[tilespmem:$0xF800] =	vst v63  }
0x3e: {  	s0 =	sshra.s32 s1, $0x2;
	s29 =	sadd.s32 $0xFFFFFFFF, s28;
	_ =	swait.ge [sflag:s18], $0x2000  }
0x3f: {  	s30 =	sadd.s32 $0x3600, s0;
	p0 =	sge.u32 s29, s6;
	[sflag:s18] =	ssyncset.done $0x0  }
0x40: {  	s29 =	simm.s32 @!p0 $0x4;
	s31 =	sshra.s32 @!p0 s1, $0x2;
	[sflag:s18] =	ssyncadd.s32 $0xFFFFE000  }
0x41: {  	[spmem:s2] =	stream.indirect.scatter.add.bf16 [tilespmem:s17], [sflag:$0x3], $0x20, s30, s16, $0xb8;
	[tilespmem:$0xF800] =	vst v63  }
0x42: {  	p1 =	sne.s32 s11, s26;
	s30 =	sadd.s32 @!p0 $0x300, s31;
	_ =	swait.ge @!p0 [sflag:s29], $0x2000  }
0x43: {  	s21 =	simm.s32 @!p0 $0x8800;
	s31 =	simm.s32 @!p0 $0x100;
	[sflag:s29] =	ssyncset.done @!p0 $0x0  }
0x44: {  	[sflag:s29] =	ssyncadd.s32 @!p0 $0xFFFFE000  }
0x45: {  	[tilespmem:s21], [sflag:$0x2] =	stream.indirect.gather @!p0 [hbm4b:s4+s31], $0x20, s30, s31, $0xb8;
	[tilespmem:$0xF800] =	vst v63  }
0x46: {  	p0 =	sge.u32 s28, s6;
	_ =	swait.ge [sflag:s20], $0x2000  }
.Ltmp1:
0x47: {  	s0 =	sadd.s32 $0x3700, s0;
	[sflag:s20] =	ssyncset.done $0x0;
	(pc) =	sbr.rel @p1 .LBB2_2-.Ltmp1, $4  }
0x48: {  	s29 =	simm.s32 @!p0 $0x3;
	s1 =	sshra.s32 @!p0 s1, $0x2;
	[sflag:s20] =	ssyncadd.s32 $0xFFFFE000  }
0x49: {  	[spmem:s2] =	stream.indirect.scatter.add.bf16 [tilespmem:s19], [sflag:$0x4], $0x20, s0, s16, $0xb8;
	[tilespmem:$0xF800] =	vst v63  }
0x4a: {  	s30 =	sadd.s32 @!p0 $0x400, s1;
	_ =	swait.ge @!p0 [sflag:s29], $0x2000  }
0x4b: {  	s31 =	simm.s32 @!p0 $0x100;
	s0 =	simm.s32 @!p0 $0x6800;
	[sflag:s29] =	ssyncset.done @!p0 $0x0  }
.LBB2_3:
0x4c: {  	[sflag:s29] =	ssyncadd.s32 @!p0 $0xFFFFE000  }
0x4d: {  	[tilespmem:s0], [sflag:$0x1] =	stream.indirect.gather @!p0 [hbm4b:s4+s31], $0x20, s30, s31, $0xb8;
	[tilespmem:$0xF800] =	vst v63  }
0x4e: {  	s1 =	sadd.s32 $0x2, s28;
	_ =	swait.ge [sflag:s18], $0x2000  }
0x4f: {  	s30 =	sshra.s32 s26, $0x2;
	s31 =	sadd.s32 $0xFFFFFFFF, s1;
	[sflag:s18] =	ssyncset.done $0x0  }
0x50: {  	s0 =	sadd.s32 $0x3600, s30;
	p0 =	slt.u32 s31, s6;
	[sflag:s18] =	ssyncadd.s32 $0xFFFFE000  }
0x51: {  	[spmem:s2] =	stream.indirect.scatter.add.bf16 [tilespmem:s17], [sflag:$0x3], $0x20, s0, s16, $0xb8;
	[tilespmem:$0xF800] =	vst v63  }
0x52: {  	s0 =	simm.s32 @p0 $0x4  }
0x53: {  	_ =	swait.ge @p0 [sflag:s0], $0x2000  }
0x54: {  	[sflag:s0] =	ssyncset.done @p0 $0x0  }
0x55: {  	[sflag:s0] =	ssyncadd.s32 @p0 $0xFFFFE000;
	s0 =	sshra.s32 @p0 s26, $0x2  }
0x56: {  	s21 =	simm.s32 @p0 $0x100;
	s28 =	simm.s32 @p0 $0x8800;
	s0 =	sadd.s32 @p0 $0x300, s0  }
0x57: {  	[tilespmem:s28], [sflag:$0x2] =	stream.indirect.gather @p0 [hbm4b:s4+s21], $0x20, s0, s21, $0xb8;
	[tilespmem:$0xF800] =	vst v63  }
0x58: {  	s0 =	sadd.s32 @p0 $0xC00, s26;
	s21 =	sadd.s32 @!p0 $0xC00, s26  }
0x59: {  	s21 =	smov.u32 @p0 s0;
	_ =	swait.ge [sflag:s20], $0x2000  }
0x5a: {  	[sflag:s20] =	ssyncset.done $0x0;
	s0 =	sshra.s32 s21, $0x2  }
0x5b: {  	p0 =	sge.u32 s1, s6;
	[sflag:s20] =	ssyncadd.s32 $0xFFFFE000;
	s0 =	sadd.s32 $0x3400, s0  }
0x5c: {  	[spmem:s2] =	stream.indirect.scatter.add.bf16 [tilespmem:s19], [sflag:$0x4], $0x20, s0, s16, $0xb8;
	[tilespmem:$0xF800] =	vst v63  }
0x5d: {  	s0 =	simm.s32 @!p0 $0x3  }
0x5e: {  	_ =	swait.ge @!p0 [sflag:s0], $0x2000  }
0x5f: {  	[sflag:s0] =	ssyncset.done @!p0 $0x0  }
0x60: {  	[sflag:s0] =	ssyncadd.s32 @!p0 $0xFFFFE000;
	s0 =	sshra.s32 @!p0 s26, $0x2  }
0x61: {  	s1 =	simm.s32 @!p0 $0x100;
	s21 =	simm.s32 @!p0 $0x6800;
	s0 =	sadd.s32 @!p0 $0x400, s0  }
0x62: {  	[tilespmem:s21], [sflag:$0x1] =	stream.indirect.gather @!p0 [hbm4b:s4+s1], $0x20, s0, s1, $0xb8;
	[tilespmem:$0xF800] =	vst v63  }
0x63: {  	_ =	swait.ge [sflag:s22], $0x2000  }
0x64: {  	[sflag:s22] =	ssyncset.done $0x0  }
0x65: {  	[sflag:s22] =	ssyncadd.s32 $0xFFFFE000  }
0x66: {  	_ =	swait.ge [sflag:s24], $0x2000  }
0x67: {  	s25 =	sadd.s32 $0x1, s25;
	[sflag:s24] =	ssyncset.done $0x0  }
0x68: {  	p0 =	sne.s32 s25, s10;
	[sflag:s24] =	ssyncadd.s32 $0xFFFFE000  }
.Ltmp2:
0x69: {  	[bflag:$0x0] =	sbarrier.arrive $0xFFFF;
	(pc) =	sbr.rel @p0 .LBB2_1-.Ltmp2, $4  }
0x6a: {  	[hbm:s9], [sflag:s14] =	dma.local [spmem:s15], $0xA00  }
0x6b: {  	_ =	swait.ge [sflag:s12], $0xA00  }
0x6c: {  	[sflag:s12] =	ssyncset.done $0x0  }
0x6d: {  	[sflag:s12] =	ssyncadd.s32 $0xFFFFF600  }
0x6e: {  	_ =	sfence.sel $0x180000  }
0x6f: {  	[bflag:$0x0] =	sbarrier.arrive $0xFFFF  }
0x70: {  	_ =	strace $0x9000004A  }
0x71: {  	s0 =	stileid.u32;
	[bflag:$0x2] =	sbarrier.arrive $0xFFFF  }
0x72: {  	p0 =	sne.s32 s0, $0x0;
	s0 =	rddreg [dreg:$0x2]  }
0x73: {  	s0 =	sadd.s32 @!p0 $0x100000, s0  }
0x74: {  	[sflag:s0] =	ssyncadd.tile.s32 @!p0 $0x1;
	_ =	shalt  }
.Lfunc_end2:
_tile_overlayer_lowered:
.L_overlay_start_2:
0x75: {  	(tag) =	ssettag $0x2  }
0x76: {  	s0 =	rddreg [dreg:$0x0];
	s2 =	stileid.u32  }
0x77: {  	s1 =	rddreg [dreg:$0x1];
	p0 =	sne.s32 s2, $0x0  }
0x78: {  	s3 =	rddreg [dreg:$0x2];
	[bflag:$0x3] =	sbarrier.arrive $0xFFFF;
	s2 =	simm.s32 @!p0 $0x1C05  }
0x79: {  	[timem:s3], [sflag:s2] =	dma.local @!p0 [hbm:s0], s1  }
0x7a: {  	s0 =	simm.s32 @!p0 $0x5  }
0x7b: {  	_ =	swait.ge @!p0 [sflag:s0], s1  }
0x7c: {  	s1 =	ssub.s32 @!p0 $0x0, s1;
	[sflag:s0] =	ssyncset.done @!p0 $0x0  }
0x7d: {  	[sflag:s0] =	ssyncadd.s32 @!p0 s1  }
0x7e: {  	[bflag:$0x3] =	sbarrier.arrive $0xFFFF  }
0x7f: {  	_ =	shalt  }

// kernel: kernel.14.cloned.1.call-start
scs
__scs_entry_jumppad:
0x0: {  	(pc) =	sbr.rel $0x88, $3  }
0x1: {  	(tag) =	ssettag $0x0;
	lr =	simm.s32 $0x1  }
0x2: {  	[smem:$0x3F98] =	sst lr;
	_ =	strace $0xD0000000  }
0x3: {  	_ = 	snop  }
0x4: {  	_ = 	snop  }
0x5: {  	_ = 	snop  }
0x6: {  	_ = 	snop  }
0x7: {  	_ = 	snop  }
__scs_overlays_trampoline_lowered:
0x8: {  	[smem:$0x3FA7] =	sst s0  }
0x9: {  	[smem:$0x3FA8] =	sst s1  }
0xa: {  	[smem:$0x3FA9] =	sst s2  }
0xb: {  	[smem:$0x3FAA] =	sst s3  }
0xc: {  	[smem:$0x3FAB] =	sst s4  }
0xd: {  	[smem:$0x3FAC] =	sst s5  }
0xe: {  	[smem:$0x3FAD] =	sst s6  }
0xf: {  	[smem:$0x3FAE] =	sst s7  }
0x10: {  	[smem:$0x3FAF] =	sst s8  }
0x11: {  	[smem:$0x3FB0] =	sst s9;
	s0 =	simm.s32 @!p0 $0x0  }
0x12: {  	s1 =	sld [smem:$0x3F96];
	s0 =	simm.s32 @p0 $0x1  }
0x13: {  	[smem:$0x3FB1] =	sst s0;
	s0 =	simm.s32 @!p1 $0x0  }
0x14: {  	s2 =	sld [smem:$0x3F95];
	s0 =	simm.s32 @p1 $0x1  }
0x15: {  	[smem:$0x3FB2] =	sst s0;
	s0 =	simm.s32 @!p2 $0x0  }
0x16: {  	s3 =	sld [smem:$0x3FDB];
	s0 =	simm.s32 @p2 $0x1  }
0x17: {  	s4 =	simm.s32 $0x1BF5;
	[smem:$0x3FB4] =	sst s0  }
0x18: {  	s0 =	sld [smem:$0x3F97];
	_ =	swait.ge [sflag:s4], $0x0  }
0x19: {  	s7 =	sld [smem:$0x3F98]  }
0x1a: {  	s8 =	sadd.s32 $0xFFFFE003, lr  }
0x1b: {  	s9 =	sadd.s32 $0xFFFFFEF7, lr;
	s5 =	simm.s32 $0xFFFFFFFF;
	p2 =	slt.u32 s8, $0xFFFFF086  }
0x1c: {  	p1 =	slt.u32 s9, $0xF7A;
	s5 =	simm.s32 @!p2 $0x0  }
0x1d: {  	s5 =	simm.s32 @p1 $0x1;
	p0 =	seq.s32 s7, s2  }
0x1e: {  	s7 =	smul.u32 @!p0 $0xF7A, s2;
	p2 =	seq.s32 @!p0 s5, $0x0  }
0x1f: {  	s9 =	smul.u32 $0xF7A, s1;
	s8 =	simm.s32 @!p0 $0x1BF5;
	p2 =	por !p2, p0  }
0x20: {  	[sflag:s8] =	ssyncset.s32 @!p0 $0xFFFFF086;
	s6 =	sadd.s32 @!p0 s3, s7;
	s7 =	simm.s32 @!p0 $0x108  }
0x21: {  	s3 =	sadd.s32 s3, s9;
	s6 =	sadd.s32 @!p0 $0x88, s6;
	s7 =	simm.s32 @p2 $0x1082  }
0x22: {  	[simem:s7], [sflag:s8] =	dma.local @!p0 [hbm:s6], $0xF7A  }
0x23: {  	s9 =	sor.u32 $0xD0000000, s2;
	s6 =	simm.s32 $0x108;
	_ =	swait.ge @!p0 [sflag:s8], $0x0  }
0x24: {  	s3 =	sadd.s32 $0x88, s3;
	s6 =	simm.s32 @!p1 $0x1082;
	[sflag:s4] =	ssyncset.s32 $0xFFFFF086  }
0x25: {  	[simem:s6], [sflag:s4] =	dma.local [hbm:s3], $0xF7A  }
0x26: {  	[smem:$0x3F98] =	sst s1;
	(tag) =	ssettag s2;
	_ =	strace s9  }
0x27: {  	s1 =	sld [smem:$0x3FA8]  }
0x28: {  	s2 =	sld [smem:$0x3FA9]  }
0x29: {  	s4 =	sld [smem:$0x3FAB]  }
0x2a: {  	p0 =	seq.s32 s5, $0x0;
	s5 =	sld [smem:$0x3FAC]  }
0x2b: {  	s6 =	sld [smem:$0x3FAD]  }
0x2c: {  	s7 =	sld [smem:$0x3FAE]  }
0x2d: {  	s3 =	simm.s32 $0x108;
	s8 =	sld [smem:$0x3FAF]  }
0x2e: {  	s3 =	simm.s32 @!p0 $0x1082;
	s9 =	sld [smem:$0x3FB0]  }
0x2f: {  	lr =	sadd.s32 s0, s3;
	s0 =	sld [smem:$0x3FA7]  }
0x30: {  	s3 =	sld [smem:$0x3FAA]  }
0x31: {  	[smem:$0x3FB3] =	sst s10  }
0x32: {  	s10 =	sld [smem:$0x3FB1];
	_ =	sdelay $0x3  }
0x33: {  	p0 =	seq.s32 s10, $0x1;
	s10 =	sld [smem:$0x3FB3];
	_ =	sdelay $0x3  }
0x34: {  	[smem:$0x3FB3] =	sst s10  }
0x35: {  	s10 =	sld [smem:$0x3FB2];
	_ =	sdelay $0x3  }
0x36: {  	p1 =	seq.s32 s10, $0x1;
	s10 =	sld [smem:$0x3FB3];
	_ =	sdelay $0x3  }
0x37: {  	[smem:$0x3FB3] =	sst s10  }
0x38: {  	s10 =	sld [smem:$0x3FB4]  }
0x39: {  	_ = 	snop;
	(pc) =	sbr.ind lr, $3  }
0x3a: {  	_ = 	snop  }
0x3b: {  	_ = 	snop  }
0x3c: {  	p2 =	seq.s32 s10, $0x1;
	s10 =	sld [smem:$0x3FB3]  }
0x3d: {  	_ =	shalt  }
0x3e: {  	_ =	shalt  }
0x3f: {  	_ =	shalt  }
0x40: {  	_ =	shalt  }
0x41: {  	_ =	shalt  }
0x42: {  	_ =	shalt  }
0x43: {  	_ =	shalt  }
0x44: {  	_ =	shalt  }
0x45: {  	_ =	shalt  }
0x46: {  	_ =	shalt  }
0x47: {  	_ =	shalt  }
0x48: {  	_ =	shalt  }
0x49: {  	_ =	shalt  }
0x4a: {  	_ =	shalt  }
0x4b: {  	_ =	shalt  }
0x4c: {  	_ =	shalt  }
0x4d: {  	_ =	shalt  }
0x4e: {  	_ =	shalt  }
0x4f: {  	_ =	shalt  }
0x50: {  	_ =	shalt  }
0x51: {  	_ =	shalt  }
0x52: {  	_ =	shalt  }
0x53: {  	_ =	shalt  }
0x54: {  	_ =	shalt  }
0x55: {  	_ =	shalt  }
0x56: {  	_ =	shalt  }
0x57: {  	_ =	shalt  }
0x58: {  	_ =	shalt  }
0x59: {  	_ =	shalt  }
0x5a: {  	_ =	shalt  }
0x5b: {  	_ =	shalt  }
0x5c: {  	_ =	shalt  }
0x5d: {  	_ =	shalt  }
0x5e: {  	_ =	shalt  }
0x5f: {  	_ =	shalt  }
0x60: {  	_ =	shalt  }
0x61: {  	_ =	shalt  }
0x62: {  	_ =	shalt  }
0x63: {  	_ =	shalt  }
0x64: {  	_ =	shalt  }
0x65: {  	_ =	shalt  }
0x66: {  	_ =	shalt  }
0x67: {  	_ =	shalt  }
0x68: {  	_ =	shalt  }
0x69: {  	_ =	shalt  }
0x6a: {  	_ =	shalt  }
0x6b: {  	_ =	shalt  }
0x6c: {  	_ =	shalt  }
0x6d: {  	_ =	shalt  }
0x6e: {  	_ =	shalt  }
0x6f: {  	_ =	shalt  }
0x70: {  	_ =	shalt  }
0x71: {  	_ =	shalt  }
0x72: {  	_ =	shalt  }
0x73: {  	_ =	shalt  }
0x74: {  	_ =	shalt  }
0x75: {  	_ =	shalt  }
0x76: {  	_ =	shalt  }
0x77: {  	_ =	shalt  }
0x78: {  	_ =	shalt  }
0x79: {  	_ =	shalt  }
0x7a: {  	_ =	shalt  }
0x7b: {  	_ =	shalt  }
0x7c: {  	_ =	shalt  }
0x7d: {  	_ =	shalt  }
0x7e: {  	_ =	shalt  }
0x7f: {  	_ =	shalt  }
0x80: {  	_ =	shalt  }
0x81: {  	_ =	shalt  }
0x82: {  	_ =	shalt  }
0x83: {  	_ =	shalt  }
0x84: {  	_ =	shalt  }
0x85: {  	_ =	shalt  }
0x86: {  	_ =	shalt  }
0x87: {  	_ =	shalt  }
.Lfunc_end0:
.L_simem_size_0:
called_computation.2_lowered:
.L_overlay_start_0:
0x88: {  	s2 =	sld [smem:$0x3FD9]  }
0x89: {  	s3 =	sld [smem:$0x3FFE];
	_ =	sdelay $0x1  }
0x8a: {  	s1 =	srdreg.scid  }
0x8b: {  	s0 =	sand.u32 $0x1, s1  }
0x8c: {  	s16 =	sshll.u32 s0, $0xA;
	s2 =	sadd.s32 s3, s2  }
0x8d: {  	s2 =	sadd.s32 s2, s16  }
0x8e: {  	[smem:$0x3FBF] =	sst s2  }
0x8f: {  	_ = 	snop  }
0x90: {  	(tm) =	ssettm $0x1  }
0x91: {  	s17 =	sld [smem:$0x3FFB];
	_ =	sdelay $0x3  }
0x92: {  	_ =	strace s17  }
0x93: {  	s2 =	sld [smem:$0x3FFC];
	_ =	sdelay $0x3  }
0x94: {  	_ =	strace s2  }
0x95: {  	s2 =	sld [smem:$0x3FFD];
	_ =	sdelay $0x3  }
0x96: {  	_ =	strace s2  }
0x97: {  	_ =	strace $0x8FFFFFFF  }
0x98: {  	s18 =	sld [smem:$0x3FDB];
	_ =	sdelay $0x1  }
0x99: {  	s19 =	simm.s32 $_scs_section_size  }
0x9a: {  	s4 =	simm.s32 $_size__tile_overlayer_lowered;
	s5 =	simm.s32 $_tile_overlayer_lowered  }
0x9b: {  	s22 =	simm.s32 $0x1BFF;
	s21 =	sshll.u32 s5, $0x1;
	s2 =	sadd.s32 s19, s18  }
0x9c: {  	s6 =	simm.s32 $0x0;
	s20 =	sshll.u32 s4, $0x1;
	s4 =	sadd.s32 s21, s2  }
0x9d: {  	[timem:s6], [sflag:s22] =	dma.local [hbm:s4], s20  }
0x9e: {  	_ =	swait.ge [sflag:s22], s20  }
0x9f: {  	s3 =	ssub.s32 $0x0, s20;
	[sflag:s22] =	ssyncset.done $0x0  }
0xa0: {  	[sflag:s22] =	ssyncadd.s32 s3;
	_ =	sdelay $0x1  }
0xa1: {  	s23 =	simm.s32 $0x1B8B  }
0xa2: {  	_ =	swait.ge [sflag:s23], $0x1  }
0xa3: {  	[sflag:s23] =	ssyncset.done $0x0  }
0xa4: {  	s25 =	simm.s32 $0x1B8E;
	s24 =	sld [smem:$0x3FFE];
	[sflag:s23] =	ssyncadd.s32 $0xFFFFFFFF  }
0xa5: {  	s26 =	simm.s32 $execute0_lowered;
	[smem:$0x3FD2] =	sst s25  }
0xa6: {  	s4 =	sshll.u32 s26, $0x1;
	_ =	strace $0x8000004C;
	[dreg:$0x1] =	wrdreg $0xFFFFFFFF  }
0xa7: {  	s28 =	simm.s32 $_size_execute0_lowered;
	s2 =	sadd.s32 s2, s4;
	[dreg:$0x0] =	wrdreg $0x0  }
0xa8: {  	s4 =	sshll.u32 s28, $0x1;
	[dreg:$0x2] =	wrdreg s2  }
0xa9: {  	[dreg:$0x3] =	wrdreg s4  }
0xaa: {  	[dreg:$0x4] =	wrdreg $0xC0  }
0xab: {  	_ =	task [dreg:s6], $0x5FFFF  }
0xac: {  	[dreg:$0x1] =	wrdreg $0xFFFFFFFF  }
0xad: {  	[dreg:$0x0] =	wrdreg $0x60  }
0xae: {  	[dreg:$0x2] =	wrdreg s24  }
0xaf: {  	[dreg:$0x3] =	wrdreg $0x88000  }
0xb0: {  	[dreg:$0x4] =	wrdreg $0x9  }
0xb1: {  	_ =	task.clear_ibuf [dreg:s6], $0x5FFFF;
	_ =	strace $0x9000004C  }
0xb2: {  	s29 =	simm.s32 $0x9;
	_ =	strace $0x8000004E  }
0xb3: {  	_ =	swait.ge [sflag:s29], $0x1  }
0xb4: {  	[sflag:s29] =	ssyncadd.s32 $0xFFFFFFFF  }
0xb5: {  	_ =	strace $0x9000004E  }
0xb6: {  	_ =	sfence  }
0xb7: {  	s30 =	sld [smem:$0x0];
	_ =	sdelay $0x2  }
0xb8: {  	s31 =	sshll.u32 s1, $0xD;
	s1 =	sshrl.u32 s1, $0x2  }
0xb9: {  	s3 =	sand.u32 $0x4000, s31;
	s1 =	sadd.s32 s1, s30  }
0xba: {  	s0 =	sor.u32 s3, s0;
	s1 =	sshll.u32 s1, $0x11  }
0xbb: {  	s0 =	sor.u32 s1, s0  }
0xbc: {  	s0 =	sadd.s32 $0x8F2B, s0  }
0xbd: {  	[sflag:s0] =	ssyncadd.remote.s32 $0x1  }
0xbe: {  	_ =	sfence.sel $0xFFFF  }
0xbf: {  	[dreg:$0x0] =	wrdreg $0xFFFFFFFF;
	(pc) =	sbr.abs _section_cstart, $3  }
0xc0: {  	[dreg:$0x1] =	wrdreg $0xFFFFFFFF  }
0xc1: {  	_ =	task.clear_ibuf [dreg:s6], $0x2FFFF;
	_ =	strace $0x9FFFFFFF  }
0xc2: {  	(tm) =	ssettm $0x7FFFFFFF  }
0xc3: {  	_ =	shalt  }
tec
execute0_lowered:
.L_overlay_start_1:
0x0: {  	(tag) =	ssettag $0x1  }
0x1: {  	s0 =	rddreg [dreg:$0x0];
	s3 =	srdreg.scid  }
0x2: {  	s2 =	rddreg [dreg:$0x1];
	s1 =	stileid.u32;
	s12 =	simm.s32 $0x5  }
0x3: {  	s13 =	simm.s32 $0x3400;
	s16 =	simm.s32 $0x100;
	s17 =	simm.s32 $0x6800  }
0x4: {  	s18 =	simm.s32 $0x1;
	s19 =	simm.s32 $0x7800;
	s20 =	simm.s32 $0x2  }
0x5: {  	s22 =	simm.s32 $0x3;
	s23 =	simm.s32 $0x200;
	s24 =	simm.s32 $0x4  }
0x6: {  	s25 =	simm.s32 $0x0;
	s6 =	sand.u32 $0x1, s3;
	s8 =	smul.u32 $0x5000, s1  }
0x7: {  	s3 =	simm.s32 $0x0;
	s31 =	sshll.u32 s1, $0x6;
	s4 =	sshll.u32 s6, $0x4  }
0x8: {  	s5 =	smul.u32 $0x50000, s6;
	[smem:$0x7FF] =	sst s3;
	s10 =	ssub.s32 $0x2, s6  }
0x9: {  	p0 =	seq.s32 s6, $0x0;
	s6 =	simm.s32 $0x34;
	s14 =	sor.u32 $0x1C05, s31  }
0xa: {  	s4 =	sor.u32 s1, s4;
	_ =	strace $0x8000004D;
	s29 =	sshrl.u32 s10, $0x1  }
0xb: {  	s6 =	simm.s32 @!p0 $0x1C;
	s11 =	sshrl.u32 s8, $0x1;
	s7 =	smul.u32 $0x680, s4  }
0xc: {  	s4 =	sadd.s32 $0xE600, s0;
	s5 =	sadd.s32 s8, s5;
	s10 =	ssub.s32 s10, s29  }
0xd: {  	s15 =	sadd.s32 s11, s2;
	s30 =	sshll.u32 s6, $0xA;
	s28 =	sshrl.u32 s5, $0x4  }
0xe: {  	s5 =	sadd.s32 $0x18400, s0;
	s10 =	smax.u32 s10, $0x1;
	s11 =	sadd.s32 $0xFFFFF000, s30  }
0xf: {  	s15 =	sshrl.u32 s15, $0x3;
	s9 =	sadd.s32 s7, s0;
	s0 =	sadd.s32 s28, s0  }
0x10: {  	s7 =	sadd.s32 $0x18E00, s9;
	s8 =	sadd.s32 $0x1600, s9;
	s9 =	sadd.s32 $0x25E00, s0  }
.LBB2_1:
0x11: {  	[tilespmem:s3], [sflag:$0x5] =	stream.linear.gather [hbm4b:s7+s3], $0x3400, $0x38;
	[tilespmem:$0xB000] =	vst v63  }
0x12: {  	_ =	swait.ge [sflag:s12], $0x3400  }
0x13: {  	[sflag:s12] =	ssyncset.done $0x0  }
0x14: {  	[sflag:s12] =	ssyncadd.s32 $0xFFFFCC00  }
0x15: {  	[tilespmem:s13], [sflag:$0x5] =	stream.linear.gather [hbm4b:s8+s3], $0x3400, $0x38;
	[tilespmem:$0xB000] =	vst v63  }
0x16: {  	_ =	swait.ge [sflag:s12], $0x3400  }
0x17: {  	[sflag:s12] =	ssyncset.done $0x0  }
0x18: {  	[sflag:s12] =	ssyncadd.s32 $0xFFFFCC00  }
0x19: {  	[spmem:s15], [sflag:s14] =	dma.local [hbm:s5], $0x500  }
0x1a: {  	_ =	swait.ge [sflag:s12], $0x500  }
0x1b: {  	[sflag:s12] =	ssyncset.done $0x0  }
0x1c: {  	[sflag:s12] =	ssyncadd.s32 $0xFFFFFB00  }
0x1d: {  	[bflag:$0x0] =	sbarrier.arrive $0xFFFF  }
0x1e: {  	[tilespmem:s17], [sflag:$0x1] =	stream.indirect.gather [hbm4b:s4+s16], $0x10, s3, s16, $0xb8;
	[tilespmem:$0xB000] =	vst v63  }
0x1f: {  	_ =	swait.ge [sflag:s18], $0x1000  }
0x20: {  	[sflag:s18] =	ssyncset.done $0x0  }
0x21: {  	[sflag:s18] =	ssyncadd.s32 $0xFFFFF000  }
0x22: {  	[spmem:s2] =	stream.indirect.scatter.add.bf16 [tilespmem:s17], [sflag:$0x3], $0x10, s13, s16, $0xb8;
	[tilespmem:$0xB000] =	vst v63  }
0x23: {  	_ = 	snop  }
0x24: {  	[tilespmem:s19], [sflag:$0x2] =	stream.indirect.gather [hbm4b:s4+s16], $0x10, s16, s16, $0xb8;
	[tilespmem:$0xB000] =	vst v63  }
0x25: {  	_ =	swait.ge [sflag:s20], $0x1000  }
0x26: {  	[sflag:s20] =	ssyncset.done $0x0  }
0x27: {  	s0 =	simm.s32 $0x3500;
	[sflag:s20] =	ssyncadd.s32 $0xFFFFF000  }
0x28: {  	[spmem:s2] =	stream.indirect.scatter.add.bf16 [tilespmem:s19], [sflag:$0x4], $0x10, s0, s16, $0xb8;
	[tilespmem:$0xB000] =	vst v63  }
0x29: {  	_ =	swait.ge [sflag:s22], $0x1000  }
0x2a: {  	[sflag:s22] =	ssyncset.done $0x0  }
0x2b: {  	[sflag:s22] =	ssyncadd.s32 $0xFFFFF000  }
0x2c: {  	[tilespmem:s17], [sflag:$0x1] =	stream.indirect.gather [hbm4b:s4+s16], $0x10, s23, s16, $0xb8;
	[tilespmem:$0xB000] =	vst v63  }
0x2d: {  	_ =	swait.ge [sflag:s18], $0x1000  }
0x2e: {  	p0 =	sle.u32 s6, $0x3;
	[sflag:s18] =	ssyncset.done $0x0  }
0x2f: {  	s21 =	simm.s32 $0x3600;
	s26 =	simm.s32 @!p0 $0x4;
	[sflag:s18] =	ssyncadd.s32 $0xFFFFF000  }
0x30: {  	[spmem:s2] =	stream.indirect.scatter.add.bf16 [tilespmem:s17], [sflag:$0x3], $0x10, s21, s16, $0xb8;
	[tilespmem:$0xB000] =	vst v63  }
0x31: {  	_ =	swait.ge @!p0 [sflag:s26], $0x1000  }
0x32: {  	s28 =	simm.s32 @!p0 $0x100;
	[sflag:s26] =	ssyncset.done @!p0 $0x0  }
0x33: {  	s29 =	simm.s32 @!p0 $0x7800;
	s0 =	simm.s32 @!p0 $0x300;
	[sflag:s26] =	ssyncadd.s32 @!p0 $0xFFFFF000  }
0x34: {  	[tilespmem:s29], [sflag:$0x2] =	stream.indirect.gather @!p0 [hbm4b:s4+s28], $0x10, s0, s28, $0xb8;
	[tilespmem:$0xB000] =	vst v63  }
0x35: {  	p1 =	sne.s32 s11, $0x800;
	s26 =	simm.s32 $0x3700;
	_ =	swait.ge [sflag:s20], $0x1000  }
.Ltmp0:
0x36: {  	p0 =	sle.u32 s6, $0x4;
	[sflag:s20] =	ssyncset.done $0x0;
	(pc) =	sbr.rel @!p1 .LBB2_3-.Ltmp0, $4  }
0x37: {  	s28 =	simm.s32 $0x4;
	s29 =	simm.s32 @!p0 $0x3;
	[sflag:s20] =	ssyncadd.s32 $0xFFFFF000  }
0x38: {  	[spmem:s2] =	stream.indirect.scatter.add.bf16 [tilespmem:s19], [sflag:$0x4], $0x10, s26, s16, $0xb8;
	[tilespmem:$0xB000] =	vst v63  }
0x39: {  	s30 =	simm.s32 @!p0 $0x400;
	s31 =	simm.s32 @!p0 $0x100;
	_ =	swait.ge @!p0 [sflag:s29], $0x1000  }
0x3a: {  	s0 =	simm.s32 @!p0 $0x6800;
	s26 =	simm.s32 $0x800;
	[sflag:s29] =	ssyncset.done @!p0 $0x0  }
.LBB2_2:
0x3b: {  	[sflag:s29] =	ssyncadd.s32 @!p0 $0xFFFFF000  }
0x3c: {  	s28 =	sadd.s32 $0x2, s28;
	s1 =	smov.u32 s26;
	s26 =	sadd.s32 $0x800, s26  }
0x3d: {  	[tilespmem:s0], [sflag:$0x1] =	stream.indirect.gather @!p0 [hbm4b:s4+s31], $0x10, s30, s31, $0xb8;
	[tilespmem:$0xB000] =	vst v63  }
0x3e: {  	s0 =	sshra.s32 s1, $0x2;
	s29 =	sadd.s32 $0xFFFFFFFF, s28;
	_ =	swait.ge [sflag:s18], $0x1000  }
0x3f: {  	s30 =	sadd.s32 $0x3600, s0;
	p0 =	sge.u32 s29, s6;
	[sflag:s18] =	ssyncset.done $0x0  }
0x40: {  	s29 =	simm.s32 @!p0 $0x4;
	s31 =	sshra.s32 @!p0 s1, $0x2;
	[sflag:s18] =	ssyncadd.s32 $0xFFFFF000  }
0x41: {  	[spmem:s2] =	stream.indirect.scatter.add.bf16 [tilespmem:s17], [sflag:$0x3], $0x10, s30, s16, $0xb8;
	[tilespmem:$0xB000] =	vst v63  }
0x42: {  	p1 =	sne.s32 s11, s26;
	s30 =	sadd.s32 @!p0 $0x300, s31;
	_ =	swait.ge @!p0 [sflag:s29], $0x1000  }
0x43: {  	s21 =	simm.s32 @!p0 $0x7800;
	s31 =	simm.s32 @!p0 $0x100;
	[sflag:s29] =	ssyncset.done @!p0 $0x0  }
0x44: {  	[sflag:s29] =	ssyncadd.s32 @!p0 $0xFFFFF000  }
0x45: {  	[tilespmem:s21], [sflag:$0x2] =	stream.indirect.gather @!p0 [hbm4b:s4+s31], $0x10, s30, s31, $0xb8;
	[tilespmem:$0xB000] =	vst v63  }
0x46: {  	p0 =	sge.u32 s28, s6;
	_ =	swait.ge [sflag:s20], $0x1000  }
.Ltmp1:
0x47: {  	s0 =	sadd.s32 $0x3700, s0;
	[sflag:s20] =	ssyncset.done $0x0;
	(pc) =	sbr.rel @p1 .LBB2_2-.Ltmp1, $4  }
0x48: {  	s29 =	simm.s32 @!p0 $0x3;
	s1 =	sshra.s32 @!p0 s1, $0x2;
	[sflag:s20] =	ssyncadd.s32 $0xFFFFF000  }
0x49: {  	[spmem:s2] =	stream.indirect.scatter.add.bf16 [tilespmem:s19], [sflag:$0x4], $0x10, s0, s16, $0xb8;
	[tilespmem:$0xB000] =	vst v63  }
0x4a: {  	s30 =	sadd.s32 @!p0 $0x400, s1;
	_ =	swait.ge @!p0 [sflag:s29], $0x1000  }
0x4b: {  	s31 =	simm.s32 @!p0 $0x100;
	s0 =	simm.s32 @!p0 $0x6800;
	[sflag:s29] =	ssyncset.done @!p0 $0x0  }
.LBB2_3:
0x4c: {  	[sflag:s29] =	ssyncadd.s32 @!p0 $0xFFFFF000  }
0x4d: {  	[tilespmem:s0], [sflag:$0x1] =	stream.indirect.gather @!p0 [hbm4b:s4+s31], $0x10, s30, s31, $0xb8;
	[tilespmem:$0xB000] =	vst v63  }
0x4e: {  	s1 =	sadd.s32 $0x2, s28;
	_ =	swait.ge [sflag:s18], $0x1000  }
0x4f: {  	s30 =	sshra.s32 s26, $0x2;
	s31 =	sadd.s32 $0xFFFFFFFF, s1;
	[sflag:s18] =	ssyncset.done $0x0  }
0x50: {  	s0 =	sadd.s32 $0x3600, s30;
	p0 =	slt.u32 s31, s6;
	[sflag:s18] =	ssyncadd.s32 $0xFFFFF000  }
0x51: {  	[spmem:s2] =	stream.indirect.scatter.add.bf16 [tilespmem:s17], [sflag:$0x3], $0x10, s0, s16, $0xb8;
	[tilespmem:$0xB000] =	vst v63  }
0x52: {  	s0 =	simm.s32 @p0 $0x4  }
0x53: {  	_ =	swait.ge @p0 [sflag:s0], $0x1000  }
0x54: {  	[sflag:s0] =	ssyncset.done @p0 $0x0  }
0x55: {  	[sflag:s0] =	ssyncadd.s32 @p0 $0xFFFFF000;
	s0 =	sshra.s32 @p0 s26, $0x2  }
0x56: {  	s21 =	simm.s32 @p0 $0x100;
	s28 =	simm.s32 @p0 $0x7800;
	s0 =	sadd.s32 @p0 $0x300, s0  }
0x57: {  	[tilespmem:s28], [sflag:$0x2] =	stream.indirect.gather @p0 [hbm4b:s4+s21], $0x10, s0, s21, $0xb8;
	[tilespmem:$0xB000] =	vst v63  }
0x58: {  	s0 =	sadd.s32 @p0 $0xC00, s26;
	s21 =	sadd.s32 @!p0 $0xC00, s26  }
0x59: {  	s21 =	smov.u32 @p0 s0;
	_ =	swait.ge [sflag:s20], $0x1000  }
0x5a: {  	[sflag:s20] =	ssyncset.done $0x0;
	s0 =	sshra.s32 s21, $0x2  }
0x5b: {  	p0 =	sge.u32 s1, s6;
	[sflag:s20] =	ssyncadd.s32 $0xFFFFF000;
	s0 =	sadd.s32 $0x3400, s0  }
0x5c: {  	[spmem:s2] =	stream.indirect.scatter.add.bf16 [tilespmem:s19], [sflag:$0x4], $0x10, s0, s16, $0xb8;
	[tilespmem:$0xB000] =	vst v63  }
0x5d: {  	s0 =	simm.s32 @!p0 $0x3  }
0x5e: {  	_ =	swait.ge @!p0 [sflag:s0], $0x1000  }
0x5f: {  	[sflag:s0] =	ssyncset.done @!p0 $0x0  }
0x60: {  	[sflag:s0] =	ssyncadd.s32 @!p0 $0xFFFFF000;
	s0 =	sshra.s32 @!p0 s26, $0x2  }
0x61: {  	s1 =	simm.s32 @!p0 $0x100;
	s21 =	simm.s32 @!p0 $0x6800;
	s0 =	sadd.s32 @!p0 $0x400, s0  }
0x62: {  	[tilespmem:s21], [sflag:$0x1] =	stream.indirect.gather @!p0 [hbm4b:s4+s1], $0x10, s0, s1, $0xb8;
	[tilespmem:$0xB000] =	vst v63  }
0x63: {  	_ =	swait.ge [sflag:s22], $0x1000  }
0x64: {  	[sflag:s22] =	ssyncset.done $0x0  }
0x65: {  	[sflag:s22] =	ssyncadd.s32 $0xFFFFF000  }
0x66: {  	_ =	swait.ge [sflag:s24], $0x1000  }
0x67: {  	s25 =	sadd.s32 $0x1, s25;
	[sflag:s24] =	ssyncset.done $0x0  }
0x68: {  	p0 =	sne.s32 s25, s10;
	[sflag:s24] =	ssyncadd.s32 $0xFFFFF000  }
.Ltmp2:
0x69: {  	[bflag:$0x0] =	sbarrier.arrive $0xFFFF;
	(pc) =	sbr.rel @p0 .LBB2_1-.Ltmp2, $4  }
0x6a: {  	[hbm:s9], [sflag:s14] =	dma.local [spmem:s15], $0x500  }
0x6b: {  	_ =	swait.ge [sflag:s12], $0x500  }
0x6c: {  	[sflag:s12] =	ssyncset.done $0x0  }
0x6d: {  	[sflag:s12] =	ssyncadd.s32 $0xFFFFFB00  }
0x6e: {  	_ =	sfence.sel $0x180000  }
0x6f: {  	[bflag:$0x0] =	sbarrier.arrive $0xFFFF  }
0x70: {  	_ =	strace $0x9000004D  }
0x71: {  	s0 =	stileid.u32;
	[bflag:$0x2] =	sbarrier.arrive $0xFFFF  }
0x72: {  	p0 =	sne.s32 s0, $0x0;
	s0 =	rddreg [dreg:$0x2]  }
0x73: {  	s0 =	sadd.s32 @!p0 $0x100000, s0  }
0x74: {  	[sflag:s0] =	ssyncadd.tile.s32 @!p0 $0x1;
	_ =	shalt  }
.Lfunc_end2:
_tile_overlayer_lowered:
.L_overlay_start_2:
0x75: {  	(tag) =	ssettag $0x2  }
0x76: {  	s0 =	rddreg [dreg:$0x0];
	s2 =	stileid.u32  }
0x77: {  	s1 =	rddreg [dreg:$0x1];
	p0 =	sne.s32 s2, $0x0  }
0x78: {  	s3 =	rddreg [dreg:$0x2];
	[bflag:$0x3] =	sbarrier.arrive $0xFFFF;
	s2 =	simm.s32 @!p0 $0x1C05  }
0x79: {  	[timem:s3], [sflag:s2] =	dma.local @!p0 [hbm:s0], s1  }
0x7a: {  	s0 =	simm.s32 @!p0 $0x5  }
0x7b: {  	_ =	swait.ge @!p0 [sflag:s0], s1  }
0x7c: {  	s1 =	ssub.s32 @!p0 $0x0, s1;
	[sflag:s0] =	ssyncset.done @!p0 $0x0  }
0x7d: {  	[sflag:s0] =	ssyncadd.s32 @!p0 s1  }
0x7e: {  	[bflag:$0x3] =	sbarrier.arrive $0xFFFF  }
0x7f: {  	_ =	shalt  }

// kernel: kernel.8.cloned.1.call-start
scs
__scs_entry_jumppad:
0x0: {  	(pc) =	sbr.rel $0x88, $3  }
0x1: {  	(tag) =	ssettag $0x0;
	lr =	simm.s32 $0x1  }
0x2: {  	[smem:$0x3F98] =	sst lr;
	_ =	strace $0xD0000000  }
0x3: {  	_ = 	snop  }
0x4: {  	_ = 	snop  }
0x5: {  	_ = 	snop  }
0x6: {  	_ = 	snop  }
0x7: {  	_ = 	snop  }
__scs_overlays_trampoline_lowered:
0x8: {  	[smem:$0x3FA7] =	sst s0  }
0x9: {  	[smem:$0x3FA8] =	sst s1  }
0xa: {  	[smem:$0x3FA9] =	sst s2  }
0xb: {  	[smem:$0x3FAA] =	sst s3  }
0xc: {  	[smem:$0x3FAB] =	sst s4  }
0xd: {  	[smem:$0x3FAC] =	sst s5  }
0xe: {  	[smem:$0x3FAD] =	sst s6  }
0xf: {  	[smem:$0x3FAE] =	sst s7  }
0x10: {  	[smem:$0x3FAF] =	sst s8  }
0x11: {  	[smem:$0x3FB0] =	sst s9;
	s0 =	simm.s32 @!p0 $0x0  }
0x12: {  	s1 =	sld [smem:$0x3F96];
	s0 =	simm.s32 @p0 $0x1  }
0x13: {  	[smem:$0x3FB1] =	sst s0;
	s0 =	simm.s32 @!p1 $0x0  }
0x14: {  	s2 =	sld [smem:$0x3F95];
	s0 =	simm.s32 @p1 $0x1  }
0x15: {  	[smem:$0x3FB2] =	sst s0;
	s0 =	simm.s32 @!p2 $0x0  }
0x16: {  	s3 =	sld [smem:$0x3FDB];
	s0 =	simm.s32 @p2 $0x1  }
0x17: {  	s4 =	simm.s32 $0x1BF5;
	[smem:$0x3FB4] =	sst s0  }
0x18: {  	s0 =	sld [smem:$0x3F97];
	_ =	swait.ge [sflag:s4], $0x0  }
0x19: {  	s7 =	sld [smem:$0x3F98]  }
0x1a: {  	s8 =	sadd.s32 $0xFFFFE003, lr  }
0x1b: {  	s9 =	sadd.s32 $0xFFFFFEF7, lr;
	s5 =	simm.s32 $0xFFFFFFFF;
	p2 =	slt.u32 s8, $0xFFFFF086  }
0x1c: {  	p1 =	slt.u32 s9, $0xF7A;
	s5 =	simm.s32 @!p2 $0x0  }
0x1d: {  	s5 =	simm.s32 @p1 $0x1;
	p0 =	seq.s32 s7, s2  }
0x1e: {  	s7 =	smul.u32 @!p0 $0xF7A, s2;
	p2 =	seq.s32 @!p0 s5, $0x0  }
0x1f: {  	s9 =	smul.u32 $0xF7A, s1;
	s8 =	simm.s32 @!p0 $0x1BF5;
	p2 =	por !p2, p0  }
0x20: {  	[sflag:s8] =	ssyncset.s32 @!p0 $0xFFFFF086;
	s6 =	sadd.s32 @!p0 s3, s7;
	s7 =	simm.s32 @!p0 $0x108  }
0x21: {  	s3 =	sadd.s32 s3, s9;
	s6 =	sadd.s32 @!p0 $0x88, s6;
	s7 =	simm.s32 @p2 $0x1082  }
0x22: {  	[simem:s7], [sflag:s8] =	dma.local @!p0 [hbm:s6], $0xF7A  }
0x23: {  	s9 =	sor.u32 $0xD0000000, s2;
	s6 =	simm.s32 $0x108;
	_ =	swait.ge @!p0 [sflag:s8], $0x0  }
0x24: {  	s3 =	sadd.s32 $0x88, s3;
	s6 =	simm.s32 @!p1 $0x1082;
	[sflag:s4] =	ssyncset.s32 $0xFFFFF086  }
0x25: {  	[simem:s6], [sflag:s4] =	dma.local [hbm:s3], $0xF7A  }
0x26: {  	[smem:$0x3F98] =	sst s1;
	(tag) =	ssettag s2;
	_ =	strace s9  }
0x27: {  	s1 =	sld [smem:$0x3FA8]  }
0x28: {  	s2 =	sld [smem:$0x3FA9]  }
0x29: {  	s4 =	sld [smem:$0x3FAB]  }
0x2a: {  	p0 =	seq.s32 s5, $0x0;
	s5 =	sld [smem:$0x3FAC]  }
0x2b: {  	s6 =	sld [smem:$0x3FAD]  }
0x2c: {  	s7 =	sld [smem:$0x3FAE]  }
0x2d: {  	s3 =	simm.s32 $0x108;
	s8 =	sld [smem:$0x3FAF]  }
0x2e: {  	s3 =	simm.s32 @!p0 $0x1082;
	s9 =	sld [smem:$0x3FB0]  }
0x2f: {  	lr =	sadd.s32 s0, s3;
	s0 =	sld [smem:$0x3FA7]  }
0x30: {  	s3 =	sld [smem:$0x3FAA]  }
0x31: {  	[smem:$0x3FB3] =	sst s10  }
0x32: {  	s10 =	sld [smem:$0x3FB1];
	_ =	sdelay $0x3  }
0x33: {  	p0 =	seq.s32 s10, $0x1;
	s10 =	sld [smem:$0x3FB3];
	_ =	sdelay $0x3  }
0x34: {  	[smem:$0x3FB3] =	sst s10  }
0x35: {  	s10 =	sld [smem:$0x3FB2];
	_ =	sdelay $0x3  }
0x36: {  	p1 =	seq.s32 s10, $0x1;
	s10 =	sld [smem:$0x3FB3];
	_ =	sdelay $0x3  }
0x37: {  	[smem:$0x3FB3] =	sst s10  }
0x38: {  	s10 =	sld [smem:$0x3FB4]  }
0x39: {  	_ = 	snop;
	(pc) =	sbr.ind lr, $3  }
0x3a: {  	_ = 	snop  }
0x3b: {  	_ = 	snop  }
0x3c: {  	p2 =	seq.s32 s10, $0x1;
	s10 =	sld [smem:$0x3FB3]  }
0x3d: {  	_ =	shalt  }
0x3e: {  	_ =	shalt  }
0x3f: {  	_ =	shalt  }
0x40: {  	_ =	shalt  }
0x41: {  	_ =	shalt  }
0x42: {  	_ =	shalt  }
0x43: {  	_ =	shalt  }
0x44: {  	_ =	shalt  }
0x45: {  	_ =	shalt  }
0x46: {  	_ =	shalt  }
0x47: {  	_ =	shalt  }
0x48: {  	_ =	shalt  }
0x49: {  	_ =	shalt  }
0x4a: {  	_ =	shalt  }
0x4b: {  	_ =	shalt  }
0x4c: {  	_ =	shalt  }
0x4d: {  	_ =	shalt  }
0x4e: {  	_ =	shalt  }
0x4f: {  	_ =	shalt  }
0x50: {  	_ =	shalt  }
0x51: {  	_ =	shalt  }
0x52: {  	_ =	shalt  }
0x53: {  	_ =	shalt  }
0x54: {  	_ =	shalt  }
0x55: {  	_ =	shalt  }
0x56: {  	_ =	shalt  }
0x57: {  	_ =	shalt  }
0x58: {  	_ =	shalt  }
0x59: {  	_ =	shalt  }
0x5a: {  	_ =	shalt  }
0x5b: {  	_ =	shalt  }
0x5c: {  	_ =	shalt  }
0x5d: {  	_ =	shalt  }
0x5e: {  	_ =	shalt  }
0x5f: {  	_ =	shalt  }
0x60: {  	_ =	shalt  }
0x61: {  	_ =	shalt  }
0x62: {  	_ =	shalt  }
0x63: {  	_ =	shalt  }
0x64: {  	_ =	shalt  }
0x65: {  	_ =	shalt  }
0x66: {  	_ =	shalt  }
0x67: {  	_ =	shalt  }
0x68: {  	_ =	shalt  }
0x69: {  	_ =	shalt  }
0x6a: {  	_ =	shalt  }
0x6b: {  	_ =	shalt  }
0x6c: {  	_ =	shalt  }
0x6d: {  	_ =	shalt  }
0x6e: {  	_ =	shalt  }
0x6f: {  	_ =	shalt  }
0x70: {  	_ =	shalt  }
0x71: {  	_ =	shalt  }
0x72: {  	_ =	shalt  }
0x73: {  	_ =	shalt  }
0x74: {  	_ =	shalt  }
0x75: {  	_ =	shalt  }
0x76: {  	_ =	shalt  }
0x77: {  	_ =	shalt  }
0x78: {  	_ =	shalt  }
0x79: {  	_ =	shalt  }
0x7a: {  	_ =	shalt  }
0x7b: {  	_ =	shalt  }
0x7c: {  	_ =	shalt  }
0x7d: {  	_ =	shalt  }
0x7e: {  	_ =	shalt  }
0x7f: {  	_ =	shalt  }
0x80: {  	_ =	shalt  }
0x81: {  	_ =	shalt  }
0x82: {  	_ =	shalt  }
0x83: {  	_ =	shalt  }
0x84: {  	_ =	shalt  }
0x85: {  	_ =	shalt  }
0x86: {  	_ =	shalt  }
0x87: {  	_ =	shalt  }
.Lfunc_end0:
.L_simem_size_0:
called_computation_lowered:
.L_overlay_start_0:
0x88: {  	s2 =	sld [smem:$0x3FD9]  }
0x89: {  	s3 =	sld [smem:$0x3FFE];
	_ =	sdelay $0x1  }
0x8a: {  	s1 =	srdreg.scid  }
0x8b: {  	s0 =	sand.u32 $0x1, s1  }
0x8c: {  	s16 =	sshll.u32 s0, $0xA;
	s2 =	sadd.s32 s3, s2  }
0x8d: {  	s2 =	sadd.s32 s2, s16  }
0x8e: {  	[smem:$0x3FBF] =	sst s2  }
0x8f: {  	_ = 	snop  }
0x90: {  	(tm) =	ssettm $0x1  }
0x91: {  	s17 =	sld [smem:$0x3FFB];
	_ =	sdelay $0x3  }
0x92: {  	_ =	strace s17  }
0x93: {  	s2 =	sld [smem:$0x3FFC];
	_ =	sdelay $0x3  }
0x94: {  	_ =	strace s2  }
0x95: {  	s2 =	sld [smem:$0x3FFD];
	_ =	sdelay $0x3  }
0x96: {  	_ =	strace s2  }
0x97: {  	_ =	strace $0x8FFFFFFF  }
0x98: {  	s18 =	sld [smem:$0x3FDB];
	_ =	sdelay $0x1  }
0x99: {  	s19 =	simm.s32 $_scs_section_size  }
0x9a: {  	s4 =	simm.s32 $_size__tile_overlayer_lowered;
	s5 =	simm.s32 $_tile_overlayer_lowered  }
0x9b: {  	s22 =	simm.s32 $0x1BFF;
	s21 =	sshll.u32 s5, $0x1;
	s2 =	sadd.s32 s19, s18  }
0x9c: {  	s6 =	simm.s32 $0x0;
	s20 =	sshll.u32 s4, $0x1;
	s4 =	sadd.s32 s21, s2  }
0x9d: {  	[timem:s6], [sflag:s22] =	dma.local [hbm:s4], s20  }
0x9e: {  	_ =	swait.ge [sflag:s22], s20  }
0x9f: {  	s3 =	ssub.s32 $0x0, s20;
	[sflag:s22] =	ssyncset.done $0x0  }
0xa0: {  	[sflag:s22] =	ssyncadd.s32 s3;
	_ =	sdelay $0x1  }
0xa1: {  	s23 =	simm.s32 $0x1B8B  }
0xa2: {  	_ =	swait.ge [sflag:s23], $0x1  }
0xa3: {  	[sflag:s23] =	ssyncset.done $0x0  }
0xa4: {  	s25 =	simm.s32 $0x1B8E;
	s24 =	sld [smem:$0x3FFE];
	[sflag:s23] =	ssyncadd.s32 $0xFFFFFFFF  }
0xa5: {  	s26 =	simm.s32 $execute0_lowered;
	[smem:$0x3FD2] =	sst s25  }
0xa6: {  	s4 =	sshll.u32 s26, $0x1;
	_ =	strace $0x80000046;
	[dreg:$0x1] =	wrdreg $0xFFFFFFFF  }
0xa7: {  	s28 =	simm.s32 $_size_execute0_lowered;
	s2 =	sadd.s32 s2, s4;
	[dreg:$0x0] =	wrdreg $0x0  }
0xa8: {  	s4 =	sshll.u32 s28, $0x1;
	[dreg:$0x2] =	wrdreg s2  }
0xa9: {  	[dreg:$0x3] =	wrdreg s4  }
0xaa: {  	[dreg:$0x4] =	wrdreg $0xC0  }
0xab: {  	_ =	task [dreg:s6], $0x5FFFF  }
0xac: {  	[dreg:$0x1] =	wrdreg $0xFFFFFFFF  }
0xad: {  	[dreg:$0x0] =	wrdreg $0x60  }
0xae: {  	[dreg:$0x2] =	wrdreg s24  }
0xaf: {  	[dreg:$0x3] =	wrdreg $0x44000  }
0xb0: {  	[dreg:$0x4] =	wrdreg $0x9  }
0xb1: {  	_ =	task.clear_ibuf [dreg:s6], $0x5FFFF;
	_ =	strace $0x90000046  }
0xb2: {  	s29 =	simm.s32 $0x9;
	_ =	strace $0x80000048  }
0xb3: {  	_ =	swait.ge [sflag:s29], $0x1  }
0xb4: {  	[sflag:s29] =	ssyncadd.s32 $0xFFFFFFFF  }
0xb5: {  	_ =	strace $0x90000048  }
0xb6: {  	_ =	sfence  }
0xb7: {  	s30 =	sld [smem:$0x0];
	_ =	sdelay $0x2  }
0xb8: {  	s31 =	sshll.u32 s1, $0xD;
	s1 =	sshrl.u32 s1, $0x2  }
0xb9: {  	s3 =	sand.u32 $0x4000, s31;
	s1 =	sadd.s32 s1, s30  }
0xba: {  	s0 =	sor.u32 s3, s0;
	s1 =	sshll.u32 s1, $0x11  }
0xbb: {  	s0 =	sor.u32 s1, s0  }
0xbc: {  	s0 =	sadd.s32 $0x8F2B, s0  }
0xbd: {  	[sflag:s0] =	ssyncadd.remote.s32 $0x1  }
0xbe: {  	_ =	sfence.sel $0xFFFF  }
0xbf: {  	[dreg:$0x0] =	wrdreg $0xFFFFFFFF;
	(pc) =	sbr.abs _section_cstart, $3  }
0xc0: {  	[dreg:$0x1] =	wrdreg $0xFFFFFFFF  }
0xc1: {  	_ =	task.clear_ibuf [dreg:s6], $0x2FFFF;
	_ =	strace $0x9FFFFFFF  }
0xc2: {  	(tm) =	ssettm $0x7FFFFFFF  }
0xc3: {  	_ =	shalt  }
tec
execute0_lowered:
.L_overlay_start_1:
0x0: {  	(tag) =	ssettag $0x1  }
0x1: {  	s0 =	srdreg.scid;
	s7 =	rddreg [dreg:$0x0]  }
0x2: {  	s2 =	rddreg [dreg:$0x1];
	s3 =	simm.s32 $0x0;
	s14 =	simm.s32 $0x100  }
0x3: {  	s15 =	simm.s32 $0x1;
	s6 =	sand.u32 $0x1, s0;
	s0 =	stileid.u32  }
0x4: {  	s16 =	simm.s32 $0x0;
	[smem:$0x7FF] =	sst s3;
	s8 =	smul.u32 $0x2800, s0  }
0x5: {  	s1 =	sshll.u32 s6, $0x4;
	s5 =	smul.u32 $0x28000, s6;
	s10 =	ssub.s32 $0x2, s6  }
0x6: {  	p0 =	seq.s32 s6, $0x0;
	s31 =	sshll.u32 s0, $0x6;
	s1 =	sor.u32 s0, s1  }
0x7: {  	s12 =	sshrl.u32 s10, $0x1;
	s4 =	smul.u32 $0x680, s1;
	s1 =	rddreg [dreg:$0x2]  }
0x8: {  	_ =	strace $0x80000047;
	s5 =	sadd.s32 s8, s5;
	s10 =	ssub.s32 s10, s12  }
0x9: {  	s13 =	sadd.s32 s8, s2;
	s12 =	sor.u32 $0x1C02, s31;
	s11 =	sshrl.u32 s5, $0x3  }
0xa: {  	s5 =	sadd.s32 $0xE600, s7;
	s13 =	sshrl.u32 s13, $0x3;
	s9 =	sadd.s32 s4, s7  }
0xb: {  	s4 =	sadd.s32 $0xEC00, s7;
	s11 =	sadd.s32 s11, s7;
	s7 =	simm.s32 $0xD  }
0xc: {  	s6 =	sadd.s32 $0x1600, s9;
	s7 =	simm.s32 @!p0 $0x7;
	s8 =	sadd.s32 $0xEE00, s11  }
0xd: {  	s9 =	smax.u32 s10, $0x1;
	s10 =	simm.s32 $0x2;
	s11 =	simm.s32 $0x3400  }
.LBB2_1:
0xe: {  	[tilespmem:s3], [sflag:$0x2] =	stream.linear.gather [hbm4b:s6+s3], $0x3400, $0x38;
	[tilespmem:$0x6C00] =	vst v63  }
0xf: {  	_ =	swait.ge [sflag:s10], $0x3400  }
0x10: {  	[sflag:s10] =	ssyncset.done $0x0  }
0x11: {  	[sflag:s10] =	ssyncadd.s32 $0xFFFFCC00  }
0x12: {  	[tilespmem:s11], [sflag:$0x2] =	stream.linear.gather [hbm4b:s4+s3], $0x1000, $0x38;
	[tilespmem:$0x6C00] =	vst v63  }
0x13: {  	_ =	swait.ge [sflag:s10], $0x1000  }
0x14: {  	[sflag:s10] =	ssyncset.done $0x0  }
0x15: {  	p1 =	sne.s32 s7, $0x1;
	[sflag:s10] =	ssyncadd.s32 $0xFFFFF000  }
0x16: {  	[spmem:s13], [sflag:s12] =	dma.local [hbm:s5], $0x500  }
.Ltmp0:
0x17: {  	_ =	swait.ge [sflag:s10], $0x500;
	(pc) =	sbr.rel @!p1 .LBB2_4-.Ltmp0, $4  }
0x18: {  	[sflag:s10] =	ssyncset.done $0x0  }
0x19: {  	[sflag:s10] =	ssyncadd.s32 $0xFFFFFB00  }
0x1a: {  	[bflag:$0x0] =	sbarrier.arrive $0xFFFF  }
0x1b: {  	s17 =	simm.s32 $0x300;
	s18 =	sadd.s32 $0xFFFFFFFF, s7;
	p0 =	por $0x0, $0x0  }
0x1c: {  	s19 =	simm.s32 $0x0  }
0x1d: {  	[spmem:s2] =	stream.indirect.scatter.add.f32 [tilespmem:s11], [sflag:$0x1], $0x10, s19, s14, $0xb8;
	[tilespmem:$0x6C00] =	vst v63  }
0x1e: {  	s30 =	simm.s32 $0x100  }
0x1f: {  	[spmem:s2] =	stream.indirect.scatter.add.f32 [tilespmem:s11], [sflag:$0x1], $0x10, s30, s14, $0xb8;
	[tilespmem:$0x6C00] =	vst v63  }
0x20: {  	s31 =	simm.s32 $0x200  }
0x21: {  	[spmem:s2] =	stream.indirect.scatter.add.f32 [tilespmem:s11], [sflag:$0x1], $0x10, s31, s14, $0xb8;
	[tilespmem:$0x6C00] =	vst v63  }
0x22: {  	_ = 	snop  }
0x23: {  	[spmem:s2] =	stream.indirect.scatter.add.f32 [tilespmem:s11], [sflag:$0x1], $0x10, s17, s14, $0xb8;
	[tilespmem:$0x6C00] =	vst v63  }
0x24: {  	_ =	swait.ge [sflag:s15], $0x1000  }
0x25: {  	[sflag:s15] =	ssyncset.done $0x0  }
0x26: {  	[sflag:s15] =	ssyncadd.s32 $0xFFFFF000  }
0x27: {  	_ =	swait.ge [sflag:s15], $0x1000  }
0x28: {  	[sflag:s15] =	ssyncset.done $0x0  }
0x29: {  	p1 =	sne.s32 s18, $0x1;
	[sflag:s15] =	ssyncadd.s32 $0xFFFFF000  }
.Ltmp1:
0x2a: {  	_ =	swait.ge [sflag:s15], $0x1000;
	(pc) =	sbr.rel @!p1 .LBB2_4-.Ltmp1, $4  }
0x2b: {  	[sflag:s15] =	ssyncset.done $0x0  }
0x2c: {  	[sflag:s15] =	ssyncadd.s32 $0xFFFFF000  }
0x2d: {  	s18 =	sadd.s32 $0xFFFFFFFF, s18;
	_ =	swait.ge [sflag:s15], $0x1000  }
0x2e: {  	p0 =	por $0x1, $0x1;
	s17 =	simm.s32 $0x700;
	[sflag:s15] =	ssyncset.done $0x0  }
.LBB2_3:
0x2f: {  	p1 =	sne.s32 s18, $0x1;
	s19 =	sadd.s32 $0xFFFFFD00, s17;
	[sflag:s15] =	ssyncadd.s32 $0xFFFFF000  }
0x30: {  	[spmem:s2] =	stream.indirect.scatter.add.f32 [tilespmem:s11], [sflag:$0x1], $0x10, s19, s14, $0xb8;
	[tilespmem:$0x6C00] =	vst v63  }
0x31: {  	s18 =	sadd.s32 $0xFFFFFFFF, s18;
	s19 =	sadd.s32 $0xFFFFFE00, s17  }
0x32: {  	[spmem:s2] =	stream.indirect.scatter.add.f32 [tilespmem:s11], [sflag:$0x1], $0x10, s19, s14, $0xb8;
	[tilespmem:$0x6C00] =	vst v63  }
0x33: {  	s19 =	sadd.s32 $0xFFFFFF00, s17  }
0x34: {  	[spmem:s2] =	stream.indirect.scatter.add.f32 [tilespmem:s11], [sflag:$0x1], $0x10, s19, s14, $0xb8;
	[tilespmem:$0x6C00] =	vst v63  }
0x35: {  	_ = 	snop  }
0x36: {  	[spmem:s2] =	stream.indirect.scatter.add.f32 [tilespmem:s11], [sflag:$0x1], $0x10, s17, s14, $0xb8;
	[tilespmem:$0x6C00] =	vst v63  }
0x37: {  	_ =	swait.ge [sflag:s15], $0x1000  }
0x38: {  	[sflag:s15] =	ssyncset.done $0x0  }
0x39: {  	[sflag:s15] =	ssyncadd.s32 $0xFFFFF000  }
0x3a: {  	_ =	swait.ge [sflag:s15], $0x1000  }
0x3b: {  	[sflag:s15] =	ssyncset.done $0x0  }
0x3c: {  	[sflag:s15] =	ssyncadd.s32 $0xFFFFF000  }
.Ltmp2:
0x3d: {  	_ =	swait.ge [sflag:s15], $0x1000;
	(pc) =	sbr.rel @p1 .LBB2_3-.Ltmp2, $4  }
0x3e: {  	[sflag:s15] =	ssyncset.done $0x0  }
0x3f: {  	[sflag:s15] =	ssyncadd.s32 $0xFFFFF000  }
0x40: {  	_ =	swait.ge [sflag:s15], $0x1000  }
0x41: {  	s17 =	sadd.s32 $0x400, s17;
	[sflag:s15] =	ssyncset.done $0x0  }
.LBB2_4:
0x42: {  	s18 =	sadd.s32 $0xFFFFFD00, s17;
	[sflag:s15] =	ssyncadd.s32 @p0 $0xFFFFF000  }
0x43: {  	[spmem:s2] =	stream.indirect.scatter.add.f32 [tilespmem:s11], [sflag:$0x1], $0x10, s18, s14, $0xb8;
	[tilespmem:$0x6C00] =	vst v63  }
0x44: {  	s30 =	sadd.s32 $0xFFFFFE00, s17  }
0x45: {  	[spmem:s2] =	stream.indirect.scatter.add.f32 [tilespmem:s11], [sflag:$0x1], $0x10, s30, s14, $0xb8;
	[tilespmem:$0x6C00] =	vst v63  }
0x46: {  	s31 =	sadd.s32 $0xFFFFFF00, s17  }
0x47: {  	[spmem:s2] =	stream.indirect.scatter.add.f32 [tilespmem:s11], [sflag:$0x1], $0x10, s31, s14, $0xb8;
	[tilespmem:$0x6C00] =	vst v63  }
0x48: {  	_ = 	snop  }
0x49: {  	[spmem:s2] =	stream.indirect.scatter.add.f32 [tilespmem:s11], [sflag:$0x1], $0x10, s17, s14, $0xb8;
	[tilespmem:$0x6C00] =	vst v63  }
0x4a: {  	_ =	swait.ge [sflag:s15], $0x1000  }
0x4b: {  	[sflag:s15] =	ssyncset.done $0x0  }
0x4c: {  	[sflag:s15] =	ssyncadd.s32 $0xFFFFF000  }
0x4d: {  	_ =	swait.ge [sflag:s15], $0x1000  }
0x4e: {  	[sflag:s15] =	ssyncset.done $0x0  }
0x4f: {  	[sflag:s15] =	ssyncadd.s32 $0xFFFFF000  }
0x50: {  	_ =	swait.ge [sflag:s15], $0x1000  }
0x51: {  	[sflag:s15] =	ssyncset.done $0x0  }
0x52: {  	[sflag:s15] =	ssyncadd.s32 $0xFFFFF000  }
0x53: {  	_ =	swait.ge [sflag:s15], $0x1000  }
0x54: {  	s16 =	sadd.s32 $0x1, s16;
	[sflag:s15] =	ssyncset.done $0x0  }
0x55: {  	p0 =	sne.s32 s16, s9;
	[sflag:s15] =	ssyncadd.s32 $0xFFFFF000  }
.Ltmp3:
0x56: {  	[bflag:$0x0] =	sbarrier.arrive $0xFFFF;
	(pc) =	sbr.rel @p0 .LBB2_1-.Ltmp3, $4  }
0x57: {  	[hbm:s8], [sflag:s12] =	dma.local [spmem:s13], $0x500  }
0x58: {  	_ =	swait.ge [sflag:s10], $0x500  }
0x59: {  	[sflag:s10] =	ssyncset.done $0x0  }
0x5a: {  	[sflag:s10] =	ssyncadd.s32 $0xFFFFFB00  }
0x5b: {  	_ =	sfence.sel $0x180000  }
0x5c: {  	[bflag:$0x0] =	sbarrier.arrive $0xFFFF  }
0x5d: {  	p0 =	sne.s32 s0, $0x0;
	_ =	strace $0x90000047  }
0x5e: {  	s0 =	sadd.s32 @!p0 $0x100000, s1;
	[bflag:$0x2] =	sbarrier.arrive $0xFFFF  }
0x5f: {  	[sflag:s0] =	ssyncadd.tile.s32 @!p0 $0x1;
	_ =	shalt  }
.Lfunc_end2:
_tile_overlayer_lowered:
.L_overlay_start_2:
0x60: {  	(tag) =	ssettag $0x2  }
0x61: {  	s0 =	rddreg [dreg:$0x0];
	s2 =	stileid.u32  }
0x62: {  	s1 =	rddreg [dreg:$0x1];
	p0 =	sne.s32 s2, $0x0  }
0x63: {  	s3 =	rddreg [dreg:$0x2];
	[bflag:$0x3] =	sbarrier.arrive $0xFFFF;
	s2 =	simm.s32 @!p0 $0x1C02  }
0x64: {  	[timem:s3], [sflag:s2] =	dma.local @!p0 [hbm:s0], s1  }
0x65: {  	s0 =	simm.s32 @!p0 $0x2  }
0x66: {  	_ =	swait.ge @!p0 [sflag:s0], s1  }
0x67: {  	s1 =	ssub.s32 @!p0 $0x0, s1;
	[sflag:s0] =	ssyncset.done @!p0 $0x0  }
0x68: {  	[sflag:s0] =	ssyncadd.s32 @!p0 s1  }
0x69: {  	[bflag:$0x3] =	sbarrier.arrive $0xFFFF  }
0x6a: {  	_ =	shalt  }

</sc_bundles>
